<compile_context>
chip_gen: v7x
topology: tpu7x:2x2x1
jax: 0.10.2.dev20260603
libtpu: 0.0.44.dev20260713+nightly
codegen_flags: <defaults>
</compile_context>

<pallas_src>
import jax
import jax.numpy as jnp
from jax import lax
from jax.experimental import pallas as pl
from jax.experimental.pallas import tpu as pltpu
from jax.experimental.pallas import tpu_sc as plsc

B, N, M = 4, 4096, 4096
SCX = 128
R = N - SCX
NW = 32
WPB = NW // B
CH = M // WPB
SCPW = SCX // WPB
L = 16
C0 = R // L
NC = M // L



def _limbs(v):
    h = v.astype(jnp.bfloat16)
    r1 = v - h.astype(jnp.float32)
    m = r1.astype(jnp.bfloat16)
    l = (r1 - m.astype(jnp.float32)).astype(jnp.bfloat16)
    return h, m, l


def _tc_body(x_ref, y_ref, xsum_ref, ymin_ref):
    b = pl.program_id(0)

    x = x_ref[0]
    y = y_ref[0]
    xb = x.astype(jnp.bfloat16)
    w = (y.astype(jnp.bfloat16)) * jnp.bfloat16(-2.0)

    xsq = jnp.sum(x * x, axis=1, keepdims=True)
    ysq = jnp.sum(y * y, axis=0, keepdims=True)
    xh, xm, xl = _limbs(xsq)
    yh, ym, yl = _limbs(ysq)

    ones_x = jnp.ones((R, 3), jnp.bfloat16)
    ones_y = jnp.ones((3, M), jnp.bfloat16)
    xmat = jnp.concatenate([xb, ones_x, xh, xm, xl], axis=1)
    wmat = jnp.concatenate([w, yh, ym, yl, ones_y], axis=0)

    g = jax.lax.dot_general(xmat, wmat, (((1,), (0,)), ((), ())),
                            preferred_element_type=jnp.float32)

    row_min = jnp.maximum(jnp.min(g, axis=1), 0.0)
    ymin_ref[0] = jnp.min(g, axis=0, keepdims=True)

    @pl.when(b == 0)
    def _zero_out():
        xsum_ref[...] = jnp.zeros((1, 1), jnp.float32)

    xsum_ref[...] = xsum_ref[...] + jnp.sum(row_min)


def _tc_call(xyz1, yT):
    return pl.pallas_call(
        _tc_body,
        grid=(B,),
        in_specs=[
            pl.BlockSpec((1, R, 3), lambda b: (b, 0, 0)),
            pl.BlockSpec((1, 3, M), lambda b: (b, 0, 0)),
        ],
        out_specs=[
            pl.BlockSpec((1, 1), lambda b: (0, 0)),
            pl.BlockSpec((1, 1, M), lambda b: (b, 0, 0)),
        ],
        out_shape=[
            jax.ShapeDtypeStruct((1, 1), jnp.float32),
            jax.ShapeDtypeStruct((B, 1, M), jnp.float32),
        ],
    )(xyz1, yT)



def _round_bf16(v):
    u = lax.bitcast_convert_type(v, jnp.int32)
    lsb = lax.shift_right_logical(u, 16) & 1
    u2 = (u + 0x7FFF + lsb) & jnp.int32(-65536)
    return lax.bitcast_convert_type(u2, jnp.float32)


def _precompute(orig_ref, sq_ref, rnd_ref, m2_ref, c_lo, c_hi):
    def body(c, _):
        sl = pl.ds(c * L, L)
        v0 = orig_ref[0, sl]
        v1 = orig_ref[1, sl]
        v2 = orig_ref[2, sl]
        sq_ref[sl] = v0 * v0 + v1 * v1 + v2 * v2
        r0 = _round_bf16(v0)
        r1 = _round_bf16(v1)
        r2 = _round_bf16(v2)
        rnd_ref[0, sl] = r0
        rnd_ref[1, sl] = r1
        rnd_ref[2, sl] = r2
        m2_ref[0, sl] = -2.0 * r0
        m2_ref[1, sl] = -2.0 * r1
        m2_ref[2, sl] = -2.0 * r2
        return 0
    lax.fori_loop(c_lo, c_hi, body, 0)


def _pair_sweep(own_b_ref, base_a, opp_m2_ref, opp_sq_ref, c_lo, c_hi):
    base_b = base_a + L
    a0 = own_b_ref[0, pl.ds(base_a, L)]
    a1 = own_b_ref[1, pl.ds(base_a, L)]
    a2 = own_b_ref[2, pl.ds(base_a, L)]
    b0 = own_b_ref[0, pl.ds(base_b, L)]
    b1 = own_b_ref[1, pl.ds(base_b, L)]
    b2 = own_b_ref[2, pl.ds(base_b, L)]

    def opp_body(c, accs):
        acc_a, acc_b = accs
        w0 = opp_m2_ref[0, pl.ds(c * L, L)]
        w1 = opp_m2_ref[1, pl.ds(c * L, L)]
        w2 = opp_m2_ref[2, pl.ds(c * L, L)]
        ws = opp_sq_ref[pl.ds(c * L, L)]
        for t in range(L):
            c0 = w0[t]
            c1 = w1[t]
            c2 = w2[t]
            cs = ws[t]
            e_a = cs + (a0 * c0 + a1 * c1 + a2 * c2)
            e_b = cs + (b0 * c0 + b1 * c1 + b2 * c2)
            acc_a = jnp.minimum(acc_a, e_a)
            acc_b = jnp.minimum(acc_b, e_b)
        return acc_a, acc_b

    init = (jnp.full((L,), 1e30, jnp.float32),
            jnp.full((L,), 1e30, jnp.float32))
    return lax.fori_loop(c_lo, c_hi, opp_body, init)


def _pair_sweep1(own_b_ref, base_a, opp_m2_ref, opp_sq_ref, c_lo, c_hi):
    a0 = own_b_ref[0, pl.ds(base_a, L)]
    a1 = own_b_ref[1, pl.ds(base_a, L)]
    a2 = own_b_ref[2, pl.ds(base_a, L)]

    def opp_body(c, acc):
        w0 = opp_m2_ref[0, pl.ds(c * L, L)]
        w1 = opp_m2_ref[1, pl.ds(c * L, L)]
        w2 = opp_m2_ref[2, pl.ds(c * L, L)]
        ws = opp_sq_ref[pl.ds(c * L, L)]
        for t in range(L):
            e_a = ws[t] + (a0 * w0[t] + a1 * w1[t] + a2 * w2[t])
            acc = jnp.minimum(acc, e_a)
        return acc

    return lax.fori_loop(c_lo, c_hi, opp_body,
                         jnp.full((L,), 1e30, jnp.float32))


def _sc_body(x_hbm, y_hbm, out1_hbm, out2_hbm,
             xorig, yorig, xb, yb, xm2, ym2, xsq, ysq, obuf, ybuf):
    c = lax.axis_index("c")
    s = lax.axis_index("s")
    wid = s * 2 + c
    b = wid // WPB
    chunk = wid % WPB

    pltpu.sync_copy(x_hbm.at[b, :, pl.ds(R, SCX)], xorig)
    pltpu.sync_copy(y_hbm.at[b], yorig)

    _precompute(xorig, xsq, xb, xm2, 0, SCX // L)
    _precompute(yorig, ysq, yb, ym2, 0, NC)

    xbase = chunk * SCPW
    zero = jnp.zeros((L,), jnp.float32)
    if SCPW == 32:
        m_a, m_b = _pair_sweep(xb, xbase, ym2, ysq, 0, NC)
        sq_a = xsq[pl.ds(xbase, L)]
        sq_b = xsq[pl.ds(xbase + L, L)]
        obuf[...] = (jnp.maximum(m_a + sq_a, zero)
                     + jnp.maximum(m_b + sq_b, zero))
    else:
        m_a = _pair_sweep1(xb, xbase, ym2, ysq, 0, NC)
        obuf[...] = jnp.maximum(m_a + xsq[pl.ds(xbase, L)], zero)
    pltpu.sync_copy(obuf, out1_hbm.at[wid])

    ybase = chunk * CH
    def ygroup(gg, _):
        base_a = ybase + gg * (2 * L)
        m_ya, m_yb = _pair_sweep(yb, base_a, xm2, xsq, 0, SCX // L)
        ybuf[pl.ds(gg * 2 * L, L)] = m_ya + ysq[pl.ds(base_a, L)]
        ybuf[pl.ds(gg * 2 * L + L, L)] = m_yb + ysq[pl.ds(base_a + L, L)]
        return 0
    lax.fori_loop(0, CH // (2 * L), ygroup, 0)
    pltpu.sync_copy(ybuf, out2_hbm.at[wid])


def _sc_call(xT, yT):
    mesh = plsc.VectorSubcoreMesh(core_axis_name="c", subcore_axis_name="s")
    return pl.kernel(
        _sc_body,
        out_type=(jax.ShapeDtypeStruct((NW, L), jnp.float32),
                  jax.ShapeDtypeStruct((NW, CH), jnp.float32)),
        mesh=mesh,
        scratch_types=[
            pltpu.VMEM((3, SCX), jnp.float32),
            pltpu.VMEM((3, M), jnp.float32),
            pltpu.VMEM((3, SCX), jnp.float32),
            pltpu.VMEM((3, M), jnp.float32),
            pltpu.VMEM((3, SCX), jnp.float32),
            pltpu.VMEM((3, M), jnp.float32),
            pltpu.VMEM((SCX,), jnp.float32),
            pltpu.VMEM((M,), jnp.float32),
            pltpu.VMEM((L,), jnp.float32),
            pltpu.VMEM((CH,), jnp.float32),
        ],
    )(xT, yT)



def kernel(xyz1, xyz2):
    xT = jnp.transpose(xyz1, (0, 2, 1))
    yT = jnp.transpose(xyz2, (0, 2, 1))

    yT2 = lax.optimization_barrier(yT)
    tc_xsum, tc_ymin = _tc_call(xyz1, yT2)
    sc_rowsum, sc_ymin = _sc_call(xT, yT)

    ymin = jnp.minimum(tc_ymin.reshape(B, M), sc_ymin.reshape(B, M))
    total = (tc_xsum[0, 0] + jnp.sum(sc_rowsum)
             + jnp.sum(jnp.maximum(ymin, 0.0)))
    return total * (1.0 / (B * N))

# --- scband reference (transcript-rebuilt; emitter-appended) ---
"""Pipeline reference for scband-chamfer-cuda-60241211293823 (READ-ONLY COPY).

The authoritative reference and input builder live on the scoring server;
editing this copy changes nothing except your own understanding.
"""

import jax, jax.numpy as jnp
import numpy as np


def setup_inputs(seed: int = 0) -> dict:
    key = jax.random.key(seed)
    k1, k2 = jax.random.split(key)
    xyz1 = jax.random.normal(k1, (4, 4096, 3), dtype=jnp.float32)
    xyz2 = jax.random.normal(k2, (4, 4096, 3), dtype=jnp.float32)
    return {"xyz1": xyz1, "xyz2": xyz2}


def _pairwise_sq_dist(x, y):
    # x: [B, N, D], y: [B, M, D] -> [B, N, M] squared euclidean distances
    x_sq = jnp.sum(x * x, axis=-1)  # [B, N]
    y_sq = jnp.sum(y * y, axis=-1)  # [B, M]
    inner = jnp.einsum('bnd,bmd->bnm', x, y)  # [B, N, M]
    d = x_sq[:, :, None] + y_sq[:, None, :] - 2.0 * inner
    return jnp.maximum(d, 0.0)


def reference(xyz1, xyz2):
    # Faithful chamfer_distance (pytorch3d semantics, no normals):
    # point_reduction='mean', batch_reduction='mean'
    d = _pairwise_sq_dist(xyz1, xyz2)  # [B, N, M]
    cham_x = jnp.mean(jnp.min(d, axis=2), axis=1)  # nearest y for each x, mean over N -> [B]
    cham_y = jnp.mean(jnp.min(d, axis=1), axis=1)  # nearest x for each y, mean over M -> [B]
    loss = jnp.mean(cham_x + cham_y)  # batch_reduction='mean'
    return loss

if __name__ == "__main__":
    import jax
    _d = setup_inputs()
    print(jax.jit(kernel)(*tuple(_d.values())))

</pallas_src>

<mosaic_0001>
#map = affine_map<(d0, d1) -> (0, 0, 0)>
#map1 = affine_map<(d0, d1) -> (0, 0)>
module attributes {stable_mosaic.version = 14 : i64} {
  func.func @_sc_body(%arg0: i32, %arg1: i32, %arg2: memref<4x3x4096xf32, #tpu.memory_space<hbm>>, %arg3: memref<4x3x4096xf32, #tpu.memory_space<hbm>>, %arg4: memref<32x16xf32, #tpu.memory_space<hbm>>, %arg5: memref<32x512xf32, #tpu.memory_space<hbm>>, %arg6: memref<3x128xf32, #tpu.memory_space<vmem>>, %arg7: memref<3x4096xf32, #tpu.memory_space<vmem>>, %arg8: memref<3x128xf32, #tpu.memory_space<vmem>>, %arg9: memref<3x4096xf32, #tpu.memory_space<vmem>>, %arg10: memref<3x128xf32, #tpu.memory_space<vmem>>, %arg11: memref<3x4096xf32, #tpu.memory_space<vmem>>, %arg12: memref<128xf32, #tpu.memory_space<vmem>>, %arg13: memref<4096xf32, #tpu.memory_space<vmem>>, %arg14: memref<16xf32, #tpu.memory_space<vmem>>, %arg15: memref<512xf32, #tpu.memory_space<vmem>>) attributes {dimension_semantics = [#tpu.dimension_semantics<core_parallel>, #tpu.dimension_semantics<subcore_parallel>], iteration_bounds = array<i64: 2, 16>, scalar_prefetch = 0 : i64, scratch_operands = 10 : i64, tpu.core_type = #tpu.core_type<sc_vector_subcore>, window_params = [{transform_indices = #map}, {transform_indices = #map}, {transform_indices = #map1}, {transform_indices = #map1}]} {
    %mul3A = arith.constant 2 : i32
    %mul3A_0 = arith.muli %arg1, %mul3A : i32
    %add3A = arith.addi %mul3A_0, %arg0 : i32
    %jit3A = arith.constant 8 : i32
    %div3A = arith.divsi %add3A, %jit3A : i32
    %sign3A = arith.constant 0 : i32
    %sign3A_1 = arith.cmpi sgt, %add3A, %sign3A : i32
    %sign3A_2 = arith.extui %sign3A_1 : i1 to i32
    %sign3A_3 = arith.constant 0 : i32
    %sign3A_4 = arith.cmpi slt, %add3A, %sign3A_3 : i32
    %sign3A_5 = arith.extui %sign3A_4 : i1 to i32
    %sign3A_6 = arith.subi %sign3A_2, %sign3A_5 : i32
    %sign3A_7 = arith.constant 0 : i32
    %sign3A_8 = arith.cmpi sgt, %jit3A, %sign3A_7 : i32
    %sign3A_9 = arith.extui %sign3A_8 : i1 to i32
    %sign3A_10 = arith.constant 0 : i32
    %sign3A_11 = arith.cmpi slt, %jit3A, %sign3A_10 : i32
    %sign3A_12 = arith.extui %sign3A_11 : i1 to i32
    %sign3A_13 = arith.subi %sign3A_9, %sign3A_12 : i32
    %ne3A = arith.cmpi ne, %sign3A_6, %sign3A_13 : i32
    %rem3A = arith.remsi %add3A, %jit3A : i32
    %ne3A_14 = arith.constant 0 : i32
    %ne3A_15 = arith.cmpi ne, %rem3A, %ne3A_14 : i32
    %and3A = arith.andi %ne3A, %ne3A_15 : i1
    %sub3A = arith.constant 1 : i32
    %sub3A_16 = arith.subi %div3A, %sub3A : i32
    %select_n3A = arith.select %and3A, %sub3A_16, %div3A : i32
    %jit3A_17 = arith.constant 8 : i32
    %eq3A = arith.constant 0 : i32
    %eq3A_18 = arith.cmpi eq, %jit3A_17, %eq3A : i32
    %jit3A_19 = arith.constant 1 : i32
    %select_n3A_20 = arith.select %eq3A_18, %jit3A_19, %jit3A_17 : i32
    %rem3A_21 = arith.remsi %add3A, %select_n3A_20 : i32
    %ne3A_22 = arith.constant 0 : i32
    %ne3A_23 = arith.cmpi ne, %rem3A_21, %ne3A_22 : i32
    %lt3A = arith.constant 0 : i32
    %lt3A_24 = arith.cmpi slt, %rem3A_21, %lt3A : i32
    %lt3A_25 = arith.constant 0 : i32
    %lt3A_26 = arith.cmpi slt, %select_n3A_20, %lt3A_25 : i32
    %ne3A_27 = arith.xori %lt3A_24, %lt3A_26 : i1
    %and3A_28 = arith.andi %ne3A_27, %ne3A_23 : i1
    %add3A_29 = arith.addi %rem3A_21, %select_n3A_20 : i32
    %select_n3A_30 = arith.select %and3A_28, %add3A_29, %rem3A_21 : i32
    "tpu.region"() ({
      %run_scoped3A = tpu.sem_alloc : memref<!tpu.dma_semaphore, #tpu.memory_space<semaphore_mem>>
      %dma_start3A = arith.constant 0 : i32
      %dma_start3A_85 = arith.constant 3968 : i32
      %dma_start3A_86 = tpu.memref_slice %arg2[%select_n3A, %dma_start3A, %dma_start3A_85] : memref<4x3x4096xf32, #tpu.memory_space<hbm>> -> memref<1x3x128xf32, #tpu.memory_space<hbm>>
      %dma_start3A_87 = tpu.memref_squeeze %dma_start3A_86 : memref<1x3x128xf32, #tpu.memory_space<hbm>> -> memref<3x128xf32, #tpu.memory_space<hbm>>
      %dma_start3A_88 = arith.constant 0 : i32
      %dma_start3A_89 = arith.constant 3968 : i32
      %dma_start3A_90 = tpu.memref_slice %arg2[%select_n3A, %dma_start3A_88, %dma_start3A_89] : memref<4x3x4096xf32, #tpu.memory_space<hbm>> -> memref<1x3x128xf32, #tpu.memory_space<hbm>>
      %dma_start3A_91 = tpu.memref_squeeze %dma_start3A_90 : memref<1x3x128xf32, #tpu.memory_space<hbm>> -> memref<3x128xf32, #tpu.memory_space<hbm>>
      tpu.enqueue_dma source(%dma_start3A_91 : memref<3x128xf32, #tpu.memory_space<hbm>>) target(%arg6 : memref<3x128xf32, #tpu.memory_space<vmem>>) target_semaphore(%run_scoped3A : memref<!tpu.dma_semaphore, #tpu.memory_space<semaphore_mem>>)
      %dma_wait3A = arith.constant 0 : i32
      %dma_wait3A_92 = arith.constant 3968 : i32
      %dma_wait3A_93 = tpu.memref_slice %arg2[%select_n3A, %dma_wait3A, %dma_wait3A_92] : memref<4x3x4096xf32, #tpu.memory_space<hbm>> -> memref<1x3x128xf32, #tpu.memory_space<hbm>>
      %dma_wait3A_94 = tpu.memref_squeeze %dma_wait3A_93 : memref<1x3x128xf32, #tpu.memory_space<hbm>> -> memref<3x128xf32, #tpu.memory_space<hbm>>
      %dma_wait3A_95 = arith.constant 0 : i32
      %dma_wait3A_96 = arith.constant 3968 : i32
      %dma_wait3A_97 = tpu.memref_slice %arg2[%select_n3A, %dma_wait3A_95, %dma_wait3A_96] : memref<4x3x4096xf32, #tpu.memory_space<hbm>> -> memref<1x3x128xf32, #tpu.memory_space<hbm>>
      %dma_wait3A_98 = tpu.memref_squeeze %dma_wait3A_97 : memref<1x3x128xf32, #tpu.memory_space<hbm>> -> memref<3x128xf32, #tpu.memory_space<hbm>>
      tpu.wait_dma2 semaphore(%run_scoped3A : memref<!tpu.dma_semaphore, #tpu.memory_space<semaphore_mem>>) src(%dma_wait3A_98 : memref<3x128xf32, #tpu.memory_space<hbm>>) dst(%arg6 : memref<3x128xf32, #tpu.memory_space<vmem>>)
      tpu.yield
    }) : () -> ()
    "tpu.region"() ({
      %run_scoped3A = tpu.sem_alloc : memref<!tpu.dma_semaphore, #tpu.memory_space<semaphore_mem>>
      %dma_start3A = arith.constant 0 : i32
      %dma_start3A_85 = arith.constant 0 : i32
      %dma_start3A_86 = tpu.memref_slice %arg3[%select_n3A, %dma_start3A, %dma_start3A_85] : memref<4x3x4096xf32, #tpu.memory_space<hbm>> -> memref<1x3x4096xf32, #tpu.memory_space<hbm>>
      %dma_start3A_87 = tpu.memref_squeeze %dma_start3A_86 : memref<1x3x4096xf32, #tpu.memory_space<hbm>> -> memref<3x4096xf32, #tpu.memory_space<hbm>>
      %dma_start3A_88 = arith.constant 0 : i32
      %dma_start3A_89 = arith.constant 0 : i32
      %dma_start3A_90 = tpu.memref_slice %arg3[%select_n3A, %dma_start3A_88, %dma_start3A_89] : memref<4x3x4096xf32, #tpu.memory_space<hbm>> -> memref<1x3x4096xf32, #tpu.memory_space<hbm>>
      %dma_start3A_91 = tpu.memref_squeeze %dma_start3A_90 : memref<1x3x4096xf32, #tpu.memory_space<hbm>> -> memref<3x4096xf32, #tpu.memory_space<hbm>>
      tpu.enqueue_dma source(%dma_start3A_91 : memref<3x4096xf32, #tpu.memory_space<hbm>>) target(%arg7 : memref<3x4096xf32, #tpu.memory_space<vmem>>) target_semaphore(%run_scoped3A : memref<!tpu.dma_semaphore, #tpu.memory_space<semaphore_mem>>)
      %dma_wait3A = arith.constant 0 : i32
      %dma_wait3A_92 = arith.constant 0 : i32
      %dma_wait3A_93 = tpu.memref_slice %arg3[%select_n3A, %dma_wait3A, %dma_wait3A_92] : memref<4x3x4096xf32, #tpu.memory_space<hbm>> -> memref<1x3x4096xf32, #tpu.memory_space<hbm>>
      %dma_wait3A_94 = tpu.memref_squeeze %dma_wait3A_93 : memref<1x3x4096xf32, #tpu.memory_space<hbm>> -> memref<3x4096xf32, #tpu.memory_space<hbm>>
      %dma_wait3A_95 = arith.constant 0 : i32
      %dma_wait3A_96 = arith.constant 0 : i32
      %dma_wait3A_97 = tpu.memref_slice %arg3[%select_n3A, %dma_wait3A_95, %dma_wait3A_96] : memref<4x3x4096xf32, #tpu.memory_space<hbm>> -> memref<1x3x4096xf32, #tpu.memory_space<hbm>>
      %dma_wait3A_98 = tpu.memref_squeeze %dma_wait3A_97 : memref<1x3x4096xf32, #tpu.memory_space<hbm>> -> memref<3x4096xf32, #tpu.memory_space<hbm>>
      tpu.wait_dma2 semaphore(%run_scoped3A : memref<!tpu.dma_semaphore, #tpu.memory_space<semaphore_mem>>) src(%dma_wait3A_98 : memref<3x4096xf32, #tpu.memory_space<hbm>>) dst(%arg7 : memref<3x4096xf32, #tpu.memory_space<vmem>>)
      tpu.yield
    }) : () -> ()
    %scan3A = arith.constant 0 : i32
    %scan3A_31 = arith.constant 0 : i32
    %scan3A_32 = arith.constant 8 : i32
    %scan3A_33 = arith.addi %scan3A_31, %scan3A_32 : i32
    %scan3A_34 = arith.constant 1 : i32
    %scan3A_35 = scf.for %scan3A_85 = %scan3A_31 to %scan3A_33 step %scan3A_34 iter_args(%scan3A_86 = %scan3A) -> (i32)  : i32 {
      %mul3A_87 = arith.constant 16 : i32
      %mul3A_88 = arith.muli %scan3A_85, %mul3A_87 : i32
      %get3A_89 = arith.constant 0 : i32
      %get3A_90 = arith.index_cast %get3A_89 : i32 to index
      %get3A_91 = arith.index_cast %mul3A_88 : i32 to index
      %get3A_92 = tpu.vector_load %arg6[%get3A_90, %get3A_91] {strides = array<i32>} : memref<3x128xf32, #tpu.memory_space<vmem>>, vector<1x16xf32>,
      %get3A_93 = vector.shape_cast %get3A_92 : vector<1x16xf32> to vector<16xf32>
      %get3A_94 = arith.constant 1 : i32
      %get3A_95 = arith.index_cast %get3A_94 : i32 to index
      %get3A_96 = arith.index_cast %mul3A_88 : i32 to index
      %get3A_97 = tpu.vector_load %arg6[%get3A_95, %get3A_96] {strides = array<i32>} : memref<3x128xf32, #tpu.memory_space<vmem>>, vector<1x16xf32>,
      %get3A_98 = vector.shape_cast %get3A_97 : vector<1x16xf32> to vector<16xf32>
      %get3A_99 = arith.constant 2 : i32
      %get3A_100 = arith.index_cast %get3A_99 : i32 to index
      %get3A_101 = arith.index_cast %mul3A_88 : i32 to index
      %get3A_102 = tpu.vector_load %arg6[%get3A_100, %get3A_101] {strides = array<i32>} : memref<3x128xf32, #tpu.memory_space<vmem>>, vector<1x16xf32>,
      %get3A_103 = vector.shape_cast %get3A_102 : vector<1x16xf32> to vector<16xf32>
      %mul3A_104 = arith.mulf %get3A_93, %get3A_93 : vector<16xf32>
      %mul3A_105 = arith.mulf %get3A_98, %get3A_98 : vector<16xf32>
      %add3A_106 = arith.addf %mul3A_104, %mul3A_105 : vector<16xf32>
      %mul3A_107 = arith.mulf %get3A_103, %get3A_103 : vector<16xf32>
      %add3A_108 = arith.addf %add3A_106, %mul3A_107 : vector<16xf32>
      %swap3A_109 = arith.index_cast %mul3A_88 : i32 to index
      %swap3A_110 = tpu.vector_load %arg12[%swap3A_109] {strides = array<i32>} : memref<128xf32, #tpu.memory_space<vmem>>, vector<16xf32>,
      %swap3A_111 = vector.shape_cast %swap3A_110 : vector<16xf32> to vector<16xf32>
      %swap3A_112 = vector.shape_cast %add3A_108 : vector<16xf32> to vector<16xf32>
      tpu.vector_store %arg12[%swap3A_109], %swap3A_112 {strides = array<i32>} : memref<128xf32, #tpu.memory_space<vmem>>, vector<16xf32>,
      %bitcast_convert_type3A = tpu.bitcast %get3A_93 : vector<16xf32> -> vector<16xi32>
      %shift_right_logical3A = arith.constant 16 : i32
      %shift_right_logical3A_113 = vector.broadcast %shift_right_logical3A : i32 to vector<16xi32>
      %shift_right_logical3A_114 = arith.shrui %bitcast_convert_type3A, %shift_right_logical3A_113 : vector<16xi32>
      %and3A_115 = arith.constant 1 : i32
      %and3A_116 = vector.broadcast %and3A_115 : i32 to vector<16xi32>
      %and3A_117 = arith.andi %shift_right_logical3A_114, %and3A_116 : vector<16xi32>
      %add3A_118 = arith.constant 32767 : i32
      %add3A_119 = vector.broadcast %add3A_118 : i32 to vector<16xi32>
      %add3A_120 = arith.addi %bitcast_convert_type3A, %add3A_119 : vector<16xi32>
      %add3A_121 = arith.addi %add3A_120, %and3A_117 : vector<16xi32>
      %and3A_122 = arith.constant -65536 : i32
      %and3A_123 = vector.broadcast %and3A_122 : i32 to vector<16xi32>
      %and3A_124 = arith.andi %add3A_121, %and3A_123 : vector<16xi32>
      %bitcast_convert_type3A_125 = tpu.bitcast %and3A_124 : vector<16xi32> -> vector<16xf32>
      %bitcast_convert_type3A_126 = tpu.bitcast %get3A_98 : vector<16xf32> -> vector<16xi32>
      %shift_right_logical3A_127 = arith.constant 16 : i32
      %shift_right_logical3A_128 = vector.broadcast %shift_right_logical3A_127 : i32 to vector<16xi32>
      %shift_right_logical3A_129 = arith.shrui %bitcast_convert_type3A_126, %shift_right_logical3A_128 : vector<16xi32>
      %and3A_130 = arith.constant 1 : i32
      %and3A_131 = vector.broadcast %and3A_130 : i32 to vector<16xi32>
      %and3A_132 = arith.andi %shift_right_logical3A_129, %and3A_131 : vector<16xi32>
      %add3A_133 = arith.constant 32767 : i32
      %add3A_134 = vector.broadcast %add3A_133 : i32 to vector<16xi32>
      %add3A_135 = arith.addi %bitcast_convert_type3A_126, %add3A_134 : vector<16xi32>
      %add3A_136 = arith.addi %add3A_135, %and3A_132 : vector<16xi32>
      %and3A_137 = arith.constant -65536 : i32
      %and3A_138 = vector.broadcast %and3A_137 : i32 to vector<16xi32>
      %and3A_139 = arith.andi %add3A_136, %and3A_138 : vector<16xi32>
      %bitcast_convert_type3A_140 = tpu.bitcast %and3A_139 : vector<16xi32> -> vector<16xf32>
      %bitcast_convert_type3A_141 = tpu.bitcast %get3A_103 : vector<16xf32> -> vector<16xi32>
      %shift_right_logical3A_142 = arith.constant 16 : i32
      %shift_right_logical3A_143 = vector.broadcast %shift_right_logical3A_142 : i32 to vector<16xi32>
      %shift_right_logical3A_144 = arith.shrui %bitcast_convert_type3A_141, %shift_right_logical3A_143 : vector<16xi32>
      %and3A_145 = arith.constant 1 : i32
      %and3A_146 = vector.broadcast %and3A_145 : i32 to vector<16xi32>
      %and3A_147 = arith.andi %shift_right_logical3A_144, %and3A_146 : vector<16xi32>
      %add3A_148 = arith.constant 32767 : i32
      %add3A_149 = vector.broadcast %add3A_148 : i32 to vector<16xi32>
      %add3A_150 = arith.addi %bitcast_convert_type3A_141, %add3A_149 : vector<16xi32>
      %add3A_151 = arith.addi %add3A_150, %and3A_147 : vector<16xi32>
      %and3A_152 = arith.constant -65536 : i32
      %and3A_153 = vector.broadcast %and3A_152 : i32 to vector<16xi32>
      %and3A_154 = arith.andi %add3A_151, %and3A_153 : vector<16xi32>
      %bitcast_convert_type3A_155 = tpu.bitcast %and3A_154 : vector<16xi32> -> vector<16xf32>
      %swap3A_156 = arith.constant 0 : i32
      %swap3A_157 = arith.index_cast %swap3A_156 : i32 to index
      %swap3A_158 = arith.index_cast %mul3A_88 : i32 to index
      %swap3A_159 = tpu.vector_load %arg8[%swap3A_157, %swap3A_158] {strides = array<i32>} : memref<3x128xf32, #tpu.memory_space<vmem>>, vector<1x16xf32>,
      %swap3A_160 = vector.shape_cast %swap3A_159 : vector<1x16xf32> to vector<16xf32>
      %swap3A_161 = vector.shape_cast %bitcast_convert_type3A_125 : vector<16xf32> to vector<1x16xf32>
      tpu.vector_store %arg8[%swap3A_157, %swap3A_158], %swap3A_161 {strides = array<i32>} : memref<3x128xf32, #tpu.memory_space<vmem>>, vector<1x16xf32>,
      %swap3A_162 = arith.constant 1 : i32
      %swap3A_163 = arith.index_cast %swap3A_162 : i32 to index
      %swap3A_164 = arith.index_cast %mul3A_88 : i32 to index
      %swap3A_165 = tpu.vector_load %arg8[%swap3A_163, %swap3A_164] {strides = array<i32>} : memref<3x128xf32, #tpu.memory_space<vmem>>, vector<1x16xf32>,
      %swap3A_166 = vector.shape_cast %swap3A_165 : vector<1x16xf32> to vector<16xf32>
      %swap3A_167 = vector.shape_cast %bitcast_convert_type3A_140 : vector<16xf32> to vector<1x16xf32>
      tpu.vector_store %arg8[%swap3A_163, %swap3A_164], %swap3A_167 {strides = array<i32>} : memref<3x128xf32, #tpu.memory_space<vmem>>, vector<1x16xf32>,
      %swap3A_168 = arith.constant 2 : i32
      %swap3A_169 = arith.index_cast %swap3A_168 : i32 to index
      %swap3A_170 = arith.index_cast %mul3A_88 : i32 to index
      %swap3A_171 = tpu.vector_load %arg8[%swap3A_169, %swap3A_170] {strides = array<i32>} : memref<3x128xf32, #tpu.memory_space<vmem>>, vector<1x16xf32>,
      %swap3A_172 = vector.shape_cast %swap3A_171 : vector<1x16xf32> to vector<16xf32>
      %swap3A_173 = vector.shape_cast %bitcast_convert_type3A_155 : vector<16xf32> to vector<1x16xf32>
      tpu.vector_store %arg8[%swap3A_169, %swap3A_170], %swap3A_173 {strides = array<i32>} : memref<3x128xf32, #tpu.memory_space<vmem>>, vector<1x16xf32>,
      %mul3A_174 = arith.constant -2.000000e+00 : f32
      %mul3A_175 = vector.broadcast %mul3A_174 : f32 to vector<16xf32>
      %mul3A_176 = arith.mulf %mul3A_175, %bitcast_convert_type3A_125 : vector<16xf32>
      %swap3A_177 = arith.constant 0 : i32
      %swap3A_178 = arith.index_cast %swap3A_177 : i32 to index
      %swap3A_179 = arith.index_cast %mul3A_88 : i32 to index
      %swap3A_180 = tpu.vector_load %arg10[%swap3A_178, %swap3A_179] {strides = array<i32>} : memref<3x128xf32, #tpu.memory_space<vmem>>, vector<1x16xf32>,
      %swap3A_181 = vector.shape_cast %swap3A_180 : vector<1x16xf32> to vector<16xf32>
      %swap3A_182 = vector.shape_cast %mul3A_176 : vector<16xf32> to vector<1x16xf32>
      tpu.vector_store %arg10[%swap3A_178, %swap3A_179], %swap3A_182 {strides = array<i32>} : memref<3x128xf32, #tpu.memory_space<vmem>>, vector<1x16xf32>,
      %mul3A_183 = arith.constant -2.000000e+00 : f32
      %mul3A_184 = vector.broadcast %mul3A_183 : f32 to vector<16xf32>
      %mul3A_185 = arith.mulf %mul3A_184, %bitcast_convert_type3A_140 : vector<16xf32>
      %swap3A_186 = arith.constant 1 : i32
      %swap3A_187 = arith.index_cast %swap3A_186 : i32 to index
      %swap3A_188 = arith.index_cast %mul3A_88 : i32 to index
      %swap3A_189 = tpu.vector_load %arg10[%swap3A_187, %swap3A_188] {strides = array<i32>} : memref<3x128xf32, #tpu.memory_space<vmem>>, vector<1x16xf32>,
      %swap3A_190 = vector.shape_cast %swap3A_189 : vector<1x16xf32> to vector<16xf32>
      %swap3A_191 = vector.shape_cast %mul3A_185 : vector<16xf32> to vector<1x16xf32>
      tpu.vector_store %arg10[%swap3A_187, %swap3A_188], %swap3A_191 {strides = array<i32>} : memref<3x128xf32, #tpu.memory_space<vmem>>, vector<1x16xf32>,
      %mul3A_192 = arith.constant -2.000000e+00 : f32
      %mul3A_193 = vector.broadcast %mul3A_192 : f32 to vector<16xf32>
      %mul3A_194 = arith.mulf %mul3A_193, %bitcast_convert_type3A_155 : vector<16xf32>
      %swap3A_195 = arith.constant 2 : i32
      %swap3A_196 = arith.index_cast %swap3A_195 : i32 to index
      %swap3A_197 = arith.index_cast %mul3A_88 : i32 to index
      %swap3A_198 = tpu.vector_load %arg10[%swap3A_196, %swap3A_197] {strides = array<i32>} : memref<3x128xf32, #tpu.memory_space<vmem>>, vector<1x16xf32>,
      %swap3A_199 = vector.shape_cast %swap3A_198 : vector<1x16xf32> to vector<16xf32>
      %swap3A_200 = vector.shape_cast %mul3A_194 : vector<16xf32> to vector<1x16xf32>
      tpu.vector_store %arg10[%swap3A_196, %swap3A_197], %swap3A_200 {strides = array<i32>} : memref<3x128xf32, #tpu.memory_space<vmem>>, vector<1x16xf32>,
      %scan3A_201 = arith.constant 0 : i32
      scf.yield %scan3A_201 : i32
    }
    %scan3A_36 = arith.constant 8 : i32
    %scan3A_37 = arith.constant 0 : i32
    %scan3A_38 = arith.constant 0 : i32
    %scan3A_39 = arith.constant 256 : i32
    %scan3A_40 = arith.addi %scan3A_38, %scan3A_39 : i32
    %scan3A_41 = arith.constant 1 : i32
    %scan3A_42 = scf.for %scan3A_85 = %scan3A_38 to %scan3A_40 step %scan3A_41 iter_args(%scan3A_86 = %scan3A_37) -> (i32)  : i32 {
      %mul3A_87 = arith.constant 16 : i32
      %mul3A_88 = arith.muli %scan3A_85, %mul3A_87 : i32
      %get3A_89 = arith.constant 0 : i32
      %get3A_90 = arith.index_cast %get3A_89 : i32 to index
      %get3A_91 = arith.index_cast %mul3A_88 : i32 to index
      %get3A_92 = tpu.vector_load %arg7[%get3A_90, %get3A_91] {strides = array<i32>} : memref<3x4096xf32, #tpu.memory_space<vmem>>, vector<1x16xf32>,
      %get3A_93 = vector.shape_cast %get3A_92 : vector<1x16xf32> to vector<16xf32>
      %get3A_94 = arith.constant 1 : i32
      %get3A_95 = arith.index_cast %get3A_94 : i32 to index
      %get3A_96 = arith.index_cast %mul3A_88 : i32 to index
      %get3A_97 = tpu.vector_load %arg7[%get3A_95, %get3A_96] {strides = array<i32>} : memref<3x4096xf32, #tpu.memory_space<vmem>>, vector<1x16xf32>,
      %get3A_98 = vector.shape_cast %get3A_97 : vector<1x16xf32> to vector<16xf32>
      %get3A_99 = arith.constant 2 : i32
      %get3A_100 = arith.index_cast %get3A_99 : i32 to index
      %get3A_101 = arith.index_cast %mul3A_88 : i32 to index
      %get3A_102 = tpu.vector_load %arg7[%get3A_100, %get3A_101] {strides = array<i32>} : memref<3x4096xf32, #tpu.memory_space<vmem>>, vector<1x16xf32>,
      %get3A_103 = vector.shape_cast %get3A_102 : vector<1x16xf32> to vector<16xf32>
      %mul3A_104 = arith.mulf %get3A_93, %get3A_93 : vector<16xf32>
      %mul3A_105 = arith.mulf %get3A_98, %get3A_98 : vector<16xf32>
      %add3A_106 = arith.addf %mul3A_104, %mul3A_105 : vector<16xf32>
      %mul3A_107 = arith.mulf %get3A_103, %get3A_103 : vector<16xf32>
      %add3A_108 = arith.addf %add3A_106, %mul3A_107 : vector<16xf32>
      %swap3A_109 = arith.index_cast %mul3A_88 : i32 to index
      %swap3A_110 = tpu.vector_load %arg13[%swap3A_109] {strides = array<i32>} : memref<4096xf32, #tpu.memory_space<vmem>>, vector<16xf32>,
      %swap3A_111 = vector.shape_cast %swap3A_110 : vector<16xf32> to vector<16xf32>
      %swap3A_112 = vector.shape_cast %add3A_108 : vector<16xf32> to vector<16xf32>
      tpu.vector_store %arg13[%swap3A_109], %swap3A_112 {strides = array<i32>} : memref<4096xf32, #tpu.memory_space<vmem>>, vector<16xf32>,
      %bitcast_convert_type3A = tpu.bitcast %get3A_93 : vector<16xf32> -> vector<16xi32>
      %shift_right_logical3A = arith.constant 16 : i32
      %shift_right_logical3A_113 = vector.broadcast %shift_right_logical3A : i32 to vector<16xi32>
      %shift_right_logical3A_114 = arith.shrui %bitcast_convert_type3A, %shift_right_logical3A_113 : vector<16xi32>
      %and3A_115 = arith.constant 1 : i32
      %and3A_116 = vector.broadcast %and3A_115 : i32 to vector<16xi32>
      %and3A_117 = arith.andi %shift_right_logical3A_114, %and3A_116 : vector<16xi32>
      %add3A_118 = arith.constant 32767 : i32
      %add3A_119 = vector.broadcast %add3A_118 : i32 to vector<16xi32>
      %add3A_120 = arith.addi %bitcast_convert_type3A, %add3A_119 : vector<16xi32>
      %add3A_121 = arith.addi %add3A_120, %and3A_117 : vector<16xi32>
      %and3A_122 = arith.constant -65536 : i32
      %and3A_123 = vector.broadcast %and3A_122 : i32 to vector<16xi32>
      %and3A_124 = arith.andi %add3A_121, %and3A_123 : vector<16xi32>
      %bitcast_convert_type3A_125 = tpu.bitcast %and3A_124 : vector<16xi32> -> vector<16xf32>
      %bitcast_convert_type3A_126 = tpu.bitcast %get3A_98 : vector<16xf32> -> vector<16xi32>
      %shift_right_logical3A_127 = arith.constant 16 : i32
      %shift_right_logical3A_128 = vector.broadcast %shift_right_logical3A_127 : i32 to vector<16xi32>
      %shift_right_logical3A_129 = arith.shrui %bitcast_convert_type3A_126, %shift_right_logical3A_128 : vector<16xi32>
      %and3A_130 = arith.constant 1 : i32
      %and3A_131 = vector.broadcast %and3A_130 : i32 to vector<16xi32>
      %and3A_132 = arith.andi %shift_right_logical3A_129, %and3A_131 : vector<16xi32>
      %add3A_133 = arith.constant 32767 : i32
      %add3A_134 = vector.broadcast %add3A_133 : i32 to vector<16xi32>
      %add3A_135 = arith.addi %bitcast_convert_type3A_126, %add3A_134 : vector<16xi32>
      %add3A_136 = arith.addi %add3A_135, %and3A_132 : vector<16xi32>
      %and3A_137 = arith.constant -65536 : i32
      %and3A_138 = vector.broadcast %and3A_137 : i32 to vector<16xi32>
      %and3A_139 = arith.andi %add3A_136, %and3A_138 : vector<16xi32>
      %bitcast_convert_type3A_140 = tpu.bitcast %and3A_139 : vector<16xi32> -> vector<16xf32>
      %bitcast_convert_type3A_141 = tpu.bitcast %get3A_103 : vector<16xf32> -> vector<16xi32>
      %shift_right_logical3A_142 = arith.constant 16 : i32
      %shift_right_logical3A_143 = vector.broadcast %shift_right_logical3A_142 : i32 to vector<16xi32>
      %shift_right_logical3A_144 = arith.shrui %bitcast_convert_type3A_141, %shift_right_logical3A_143 : vector<16xi32>
      %and3A_145 = arith.constant 1 : i32
      %and3A_146 = vector.broadcast %and3A_145 : i32 to vector<16xi32>
      %and3A_147 = arith.andi %shift_right_logical3A_144, %and3A_146 : vector<16xi32>
      %add3A_148 = arith.constant 32767 : i32
      %add3A_149 = vector.broadcast %add3A_148 : i32 to vector<16xi32>
      %add3A_150 = arith.addi %bitcast_convert_type3A_141, %add3A_149 : vector<16xi32>
      %add3A_151 = arith.addi %add3A_150, %and3A_147 : vector<16xi32>
      %and3A_152 = arith.constant -65536 : i32
      %and3A_153 = vector.broadcast %and3A_152 : i32 to vector<16xi32>
      %and3A_154 = arith.andi %add3A_151, %and3A_153 : vector<16xi32>
      %bitcast_convert_type3A_155 = tpu.bitcast %and3A_154 : vector<16xi32> -> vector<16xf32>
      %swap3A_156 = arith.constant 0 : i32
      %swap3A_157 = arith.index_cast %swap3A_156 : i32 to index
      %swap3A_158 = arith.index_cast %mul3A_88 : i32 to index
      %swap3A_159 = tpu.vector_load %arg9[%swap3A_157, %swap3A_158] {strides = array<i32>} : memref<3x4096xf32, #tpu.memory_space<vmem>>, vector<1x16xf32>,
      %swap3A_160 = vector.shape_cast %swap3A_159 : vector<1x16xf32> to vector<16xf32>
      %swap3A_161 = vector.shape_cast %bitcast_convert_type3A_125 : vector<16xf32> to vector<1x16xf32>
      tpu.vector_store %arg9[%swap3A_157, %swap3A_158], %swap3A_161 {strides = array<i32>} : memref<3x4096xf32, #tpu.memory_space<vmem>>, vector<1x16xf32>,
      %swap3A_162 = arith.constant 1 : i32
      %swap3A_163 = arith.index_cast %swap3A_162 : i32 to index
      %swap3A_164 = arith.index_cast %mul3A_88 : i32 to index
      %swap3A_165 = tpu.vector_load %arg9[%swap3A_163, %swap3A_164] {strides = array<i32>} : memref<3x4096xf32, #tpu.memory_space<vmem>>, vector<1x16xf32>,
      %swap3A_166 = vector.shape_cast %swap3A_165 : vector<1x16xf32> to vector<16xf32>
      %swap3A_167 = vector.shape_cast %bitcast_convert_type3A_140 : vector<16xf32> to vector<1x16xf32>
      tpu.vector_store %arg9[%swap3A_163, %swap3A_164], %swap3A_167 {strides = array<i32>} : memref<3x4096xf32, #tpu.memory_space<vmem>>, vector<1x16xf32>,
      %swap3A_168 = arith.constant 2 : i32
      %swap3A_169 = arith.index_cast %swap3A_168 : i32 to index
      %swap3A_170 = arith.index_cast %mul3A_88 : i32 to index
      %swap3A_171 = tpu.vector_load %arg9[%swap3A_169, %swap3A_170] {strides = array<i32>} : memref<3x4096xf32, #tpu.memory_space<vmem>>, vector<1x16xf32>,
      %swap3A_172 = vector.shape_cast %swap3A_171 : vector<1x16xf32> to vector<16xf32>
      %swap3A_173 = vector.shape_cast %bitcast_convert_type3A_155 : vector<16xf32> to vector<1x16xf32>
      tpu.vector_store %arg9[%swap3A_169, %swap3A_170], %swap3A_173 {strides = array<i32>} : memref<3x4096xf32, #tpu.memory_space<vmem>>, vector<1x16xf32>,
      %mul3A_174 = arith.constant -2.000000e+00 : f32
      %mul3A_175 = vector.broadcast %mul3A_174 : f32 to vector<16xf32>
      %mul3A_176 = arith.mulf %mul3A_175, %bitcast_convert_type3A_125 : vector<16xf32>
      %swap3A_177 = arith.constant 0 : i32
      %swap3A_178 = arith.index_cast %swap3A_177 : i32 to index
      %swap3A_179 = arith.index_cast %mul3A_88 : i32 to index
      %swap3A_180 = tpu.vector_load %arg11[%swap3A_178, %swap3A_179] {strides = array<i32>} : memref<3x4096xf32, #tpu.memory_space<vmem>>, vector<1x16xf32>,
      %swap3A_181 = vector.shape_cast %swap3A_180 : vector<1x16xf32> to vector<16xf32>
      %swap3A_182 = vector.shape_cast %mul3A_176 : vector<16xf32> to vector<1x16xf32>
      tpu.vector_store %arg11[%swap3A_178, %swap3A_179], %swap3A_182 {strides = array<i32>} : memref<3x4096xf32, #tpu.memory_space<vmem>>, vector<1x16xf32>,
      %mul3A_183 = arith.constant -2.000000e+00 : f32
      %mul3A_184 = vector.broadcast %mul3A_183 : f32 to vector<16xf32>
      %mul3A_185 = arith.mulf %mul3A_184, %bitcast_convert_type3A_140 : vector<16xf32>
      %swap3A_186 = arith.constant 1 : i32
      %swap3A_187 = arith.index_cast %swap3A_186 : i32 to index
      %swap3A_188 = arith.index_cast %mul3A_88 : i32 to index
      %swap3A_189 = tpu.vector_load %arg11[%swap3A_187, %swap3A_188] {strides = array<i32>} : memref<3x4096xf32, #tpu.memory_space<vmem>>, vector<1x16xf32>,
      %swap3A_190 = vector.shape_cast %swap3A_189 : vector<1x16xf32> to vector<16xf32>
      %swap3A_191 = vector.shape_cast %mul3A_185 : vector<16xf32> to vector<1x16xf32>
      tpu.vector_store %arg11[%swap3A_187, %swap3A_188], %swap3A_191 {strides = array<i32>} : memref<3x4096xf32, #tpu.memory_space<vmem>>, vector<1x16xf32>,
      %mul3A_192 = arith.constant -2.000000e+00 : f32
      %mul3A_193 = vector.broadcast %mul3A_192 : f32 to vector<16xf32>
      %mul3A_194 = arith.mulf %mul3A_193, %bitcast_convert_type3A_155 : vector<16xf32>
      %swap3A_195 = arith.constant 2 : i32
      %swap3A_196 = arith.index_cast %swap3A_195 : i32 to index
      %swap3A_197 = arith.index_cast %mul3A_88 : i32 to index
      %swap3A_198 = tpu.vector_load %arg11[%swap3A_196, %swap3A_197] {strides = array<i32>} : memref<3x4096xf32, #tpu.memory_space<vmem>>, vector<1x16xf32>,
      %swap3A_199 = vector.shape_cast %swap3A_198 : vector<1x16xf32> to vector<16xf32>
      %swap3A_200 = vector.shape_cast %mul3A_194 : vector<16xf32> to vector<1x16xf32>
      tpu.vector_store %arg11[%swap3A_196, %swap3A_197], %swap3A_200 {strides = array<i32>} : memref<3x4096xf32, #tpu.memory_space<vmem>>, vector<1x16xf32>,
      %scan3A_201 = arith.constant 0 : i32
      scf.yield %scan3A_201 : i32
    }
    %scan3A_43 = arith.constant 256 : i32
    %mul3A_44 = arith.constant 16 : i32
    %mul3A_45 = arith.muli %select_n3A_30, %mul3A_44 : i32
    %broadcast_in_dim3A = arith.constant 0.000000e+00 : f32
    %broadcast_in_dim3A_46 = vector.broadcast %broadcast_in_dim3A : f32 to vector<16xf32>
    %get3A = arith.constant 0 : i32
    %get3A_47 = arith.index_cast %get3A : i32 to index
    %get3A_48 = arith.index_cast %mul3A_45 : i32 to index
    %get3A_49 = tpu.vector_load %arg8[%get3A_47, %get3A_48] {strides = array<i32>} : memref<3x128xf32, #tpu.memory_space<vmem>>, vector<1x16xf32>,
    %get3A_50 = vector.shape_cast %get3A_49 : vector<1x16xf32> to vector<16xf32>
    %get3A_51 = arith.constant 1 : i32
    %get3A_52 = arith.index_cast %get3A_51 : i32 to index
    %get3A_53 = arith.index_cast %mul3A_45 : i32 to index
    %get3A_54 = tpu.vector_load %arg8[%get3A_52, %get3A_53] {strides = array<i32>} : memref<3x128xf32, #tpu.memory_space<vmem>>, vector<1x16xf32>,
    %get3A_55 = vector.shape_cast %get3A_54 : vector<1x16xf32> to vector<16xf32>
    %get3A_56 = arith.constant 2 : i32
    %get3A_57 = arith.index_cast %get3A_56 : i32 to index
    %get3A_58 = arith.index_cast %mul3A_45 : i32 to index
    %get3A_59 = tpu.vector_load %arg8[%get3A_57, %get3A_58] {strides = array<i32>} : memref<3x128xf32, #tpu.memory_space<vmem>>, vector<1x16xf32>,
    %get3A_60 = vector.shape_cast %get3A_59 : vector<1x16xf32> to vector<16xf32>
    %broadcast_in_dim3A_61 = arith.constant 1.000000e+30 : f32
    %broadcast_in_dim3A_62 = vector.broadcast %broadcast_in_dim3A_61 : f32 to vector<16xf32>
    %scan3A_63 = arith.constant 0 : i32
    %scan3A_64 = arith.constant 256 : i32
    %scan3A_65 = arith.addi %scan3A_63, %scan3A_64 : i32
    %scan3A_66 = arith.constant 1 : i32
    %scan3A_67 = scf.for %scan3A_85 = %scan3A_63 to %scan3A_65 step %scan3A_66 iter_args(%scan3A_86 = %broadcast_in_dim3A_62) -> (vector<16xf32>)  : i32 {
      %mul3A_87 = arith.constant 16 : i32
      %mul3A_88 = arith.muli %scan3A_85, %mul3A_87 : i32
      %get3A_89 = arith.constant 0 : i32
      %get3A_90 = arith.index_cast %get3A_89 : i32 to index
      %get3A_91 = arith.index_cast %mul3A_88 : i32 to index
      %get3A_92 = tpu.vector_load %arg11[%get3A_90, %get3A_91] {strides = array<i32>} : memref<3x4096xf32, #tpu.memory_space<vmem>>, vector<1x16xf32>,
      %get3A_93 = vector.shape_cast %get3A_92 : vector<1x16xf32> to vector<16xf32>
      %mul3A_94 = arith.constant 16 : i32
      %mul3A_95 = arith.muli %scan3A_85, %mul3A_94 : i32
      %get3A_96 = arith.constant 1 : i32
      %get3A_97 = arith.index_cast %get3A_96 : i32 to index
      %get3A_98 = arith.index_cast %mul3A_95 : i32 to index
      %get3A_99 = tpu.vector_load %arg11[%get3A_97, %get3A_98] {strides = array<i32>} : memref<3x4096xf32, #tpu.memory_space<vmem>>, vector<1x16xf32>,
      %get3A_100 = vector.shape_cast %get3A_99 : vector<1x16xf32> to vector<16xf32>
      %mul3A_101 = arith.constant 16 : i32
      %mul3A_102 = arith.muli %scan3A_85, %mul3A_101 : i32
      %get3A_103 = arith.constant 2 : i32
      %get3A_104 = arith.index_cast %get3A_103 : i32 to index
      %get3A_105 = arith.index_cast %mul3A_102 : i32 to index
      %get3A_106 = tpu.vector_load %arg11[%get3A_104, %get3A_105] {strides = array<i32>} : memref<3x4096xf32, #tpu.memory_space<vmem>>, vector<1x16xf32>,
      %get3A_107 = vector.shape_cast %get3A_106 : vector<1x16xf32> to vector<16xf32>
      %mul3A_108 = arith.constant 16 : i32
      %mul3A_109 = arith.muli %scan3A_85, %mul3A_108 : i32
      %get3A_110 = arith.index_cast %mul3A_109 : i32 to index
      %get3A_111 = tpu.vector_load %arg13[%get3A_110] {strides = array<i32>} : memref<4096xf32, #tpu.memory_space<vmem>>, vector<16xf32>,
      %get3A_112 = vector.shape_cast %get3A_111 : vector<16xf32> to vector<16xf32>
      %slice3A = vector.extract_strided_slice %get3A_112 {offsets = [0], sizes = [1], strides = [1]} : vector<16xf32> to vector<1xf32>
      %squeeze3A = vector.extract %slice3A[0] : f32 from vector<1xf32>
      %slice3A_113 = vector.extract_strided_slice %get3A_93 {offsets = [0], sizes = [1], strides = [1]} : vector<16xf32> to vector<1xf32>
      %squeeze3A_114 = vector.extract %slice3A_113[0] : f32 from vector<1xf32>
      %mul3A_115 = vector.broadcast %squeeze3A_114 : f32 to vector<16xf32>
      %mul3A_116 = arith.mulf %get3A_50, %mul3A_115 : vector<16xf32>
      %slice3A_117 = vector.extract_strided_slice %get3A_100 {offsets = [0], sizes = [1], strides = [1]} : vector<16xf32> to vector<1xf32>
      %squeeze3A_118 = vector.extract %slice3A_117[0] : f32 from vector<1xf32>
      %mul3A_119 = vector.broadcast %squeeze3A_118 : f32 to vector<16xf32>
      %mul3A_120 = arith.mulf %get3A_55, %mul3A_119 : vector<16xf32>
      %add3A_121 = arith.addf %mul3A_116, %mul3A_120 : vector<16xf32>
      %slice3A_122 = vector.extract_strided_slice %get3A_107 {offsets = [0], sizes = [1], strides = [1]} : vector<16xf32> to vector<1xf32>
      %squeeze3A_123 = vector.extract %slice3A_122[0] : f32 from vector<1xf32>
      %mul3A_124 = vector.broadcast %squeeze3A_123 : f32 to vector<16xf32>
      %mul3A_125 = arith.mulf %get3A_60, %mul3A_124 : vector<16xf32>
      %add3A_126 = arith.addf %add3A_121, %mul3A_125 : vector<16xf32>
      %add3A_127 = vector.broadcast %squeeze3A : f32 to vector<16xf32>
      %add3A_128 = arith.addf %add3A_127, %add3A_126 : vector<16xf32>
      %min3A = arith.minimumf %scan3A_86, %add3A_128 : vector<16xf32>
      %slice3A_129 = vector.extract_strided_slice %get3A_112 {offsets = [1], sizes = [1], strides = [1]} : vector<16xf32> to vector<1xf32>
      %squeeze3A_130 = vector.extract %slice3A_129[0] : f32 from vector<1xf32>
      %slice3A_131 = vector.extract_strided_slice %get3A_93 {offsets = [1], sizes = [1], strides = [1]} : vector<16xf32> to vector<1xf32>
      %squeeze3A_132 = vector.extract %slice3A_131[0] : f32 from vector<1xf32>
      %mul3A_133 = vector.broadcast %squeeze3A_132 : f32 to vector<16xf32>
      %mul3A_134 = arith.mulf %get3A_50, %mul3A_133 : vector<16xf32>
      %slice3A_135 = vector.extract_strided_slice %get3A_100 {offsets = [1], sizes = [1], strides = [1]} : vector<16xf32> to vector<1xf32>
      %squeeze3A_136 = vector.extract %slice3A_135[0] : f32 from vector<1xf32>
      %mul3A_137 = vector.broadcast %squeeze3A_136 : f32 to vector<16xf32>
      %mul3A_138 = arith.mulf %get3A_55, %mul3A_137 : vector<16xf32>
      %add3A_139 = arith.addf %mul3A_134, %mul3A_138 : vector<16xf32>
      %slice3A_140 = vector.extract_strided_slice %get3A_107 {offsets = [1], sizes = [1], strides = [1]} : vector<16xf32> to vector<1xf32>
      %squeeze3A_141 = vector.extract %slice3A_140[0] : f32 from vector<1xf32>
      %mul3A_142 = vector.broadcast %squeeze3A_141 : f32 to vector<16xf32>
      %mul3A_143 = arith.mulf %get3A_60, %mul3A_142 : vector<16xf32>
      %add3A_144 = arith.addf %add3A_139, %mul3A_143 : vector<16xf32>
      %add3A_145 = vector.broadcast %squeeze3A_130 : f32 to vector<16xf32>
      %add3A_146 = arith.addf %add3A_145, %add3A_144 : vector<16xf32>
      %min3A_147 = arith.minimumf %min3A, %add3A_146 : vector<16xf32>
      %slice3A_148 = vector.extract_strided_slice %get3A_112 {offsets = [2], sizes = [1], strides = [1]} : vector<16xf32> to vector<1xf32>
      %squeeze3A_149 = vector.extract %slice3A_148[0] : f32 from vector<1xf32>
      %slice3A_150 = vector.extract_strided_slice %get3A_93 {offsets = [2], sizes = [1], strides = [1]} : vector<16xf32> to vector<1xf32>
      %squeeze3A_151 = vector.extract %slice3A_150[0] : f32 from vector<1xf32>
      %mul3A_152 = vector.broadcast %squeeze3A_151 : f32 to vector<16xf32>
      %mul3A_153 = arith.mulf %get3A_50, %mul3A_152 : vector<16xf32>
      %slice3A_154 = vector.extract_strided_slice %get3A_100 {offsets = [2], sizes = [1], strides = [1]} : vector<16xf32> to vector<1xf32>
      %squeeze3A_155 = vector.extract %slice3A_154[0] : f32 from vector<1xf32>
      %mul3A_156 = vector.broadcast %squeeze3A_155 : f32 to vector<16xf32>
      %mul3A_157 = arith.mulf %get3A_55, %mul3A_156 : vector<16xf32>
      %add3A_158 = arith.addf %mul3A_153, %mul3A_157 : vector<16xf32>
      %slice3A_159 = vector.extract_strided_slice %get3A_107 {offsets = [2], sizes = [1], strides = [1]} : vector<16xf32> to vector<1xf32>
      %squeeze3A_160 = vector.extract %slice3A_159[0] : f32 from vector<1xf32>
      %mul3A_161 = vector.broadcast %squeeze3A_160 : f32 to vector<16xf32>
      %mul3A_162 = arith.mulf %get3A_60, %mul3A_161 : vector<16xf32>
      %add3A_163 = arith.addf %add3A_158, %mul3A_162 : vector<16xf32>
      %add3A_164 = vector.broadcast %squeeze3A_149 : f32 to vector<16xf32>
      %add3A_165 = arith.addf %add3A_164, %add3A_163 : vector<16xf32>
      %min3A_166 = arith.minimumf %min3A_147, %add3A_165 : vector<16xf32>
      %slice3A_167 = vector.extract_strided_slice %get3A_112 {offsets = [3], sizes = [1], strides = [1]} : vector<16xf32> to vector<1xf32>
      %squeeze3A_168 = vector.extract %slice3A_167[0] : f32 from vector<1xf32>
      %slice3A_169 = vector.extract_strided_slice %get3A_93 {offsets = [3], sizes = [1], strides = [1]} : vector<16xf32> to vector<1xf32>
      %squeeze3A_170 = vector.extract %slice3A_169[0] : f32 from vector<1xf32>
      %mul3A_171 = vector.broadcast %squeeze3A_170 : f32 to vector<16xf32>
      %mul3A_172 = arith.mulf %get3A_50, %mul3A_171 : vector<16xf32>
      %slice3A_173 = vector.extract_strided_slice %get3A_100 {offsets = [3], sizes = [1], strides = [1]} : vector<16xf32> to vector<1xf32>
      %squeeze3A_174 = vector.extract %slice3A_173[0] : f32 from vector<1xf32>
      %mul3A_175 = vector.broadcast %squeeze3A_174 : f32 to vector<16xf32>
      %mul3A_176 = arith.mulf %get3A_55, %mul3A_175 : vector<16xf32>
      %add3A_177 = arith.addf %mul3A_172, %mul3A_176 : vector<16xf32>
      %slice3A_178 = vector.extract_strided_slice %get3A_107 {offsets = [3], sizes = [1], strides = [1]} : vector<16xf32> to vector<1xf32>
      %squeeze3A_179 = vector.extract %slice3A_178[0] : f32 from vector<1xf32>
      %mul3A_180 = vector.broadcast %squeeze3A_179 : f32 to vector<16xf32>
      %mul3A_181 = arith.mulf %get3A_60, %mul3A_180 : vector<16xf32>
      %add3A_182 = arith.addf %add3A_177, %mul3A_181 : vector<16xf32>
      %add3A_183 = vector.broadcast %squeeze3A_168 : f32 to vector<16xf32>
      %add3A_184 = arith.addf %add3A_183, %add3A_182 : vector<16xf32>
      %min3A_185 = arith.minimumf %min3A_166, %add3A_184 : vector<16xf32>
      %slice3A_186 = vector.extract_strided_slice %get3A_112 {offsets = [4], sizes = [1], strides = [1]} : vector<16xf32> to vector<1xf32>
      %squeeze3A_187 = vector.extract %slice3A_186[0] : f32 from vector<1xf32>
      %slice3A_188 = vector.extract_strided_slice %get3A_93 {offsets = [4], sizes = [1], strides = [1]} : vector<16xf32> to vector<1xf32>
      %squeeze3A_189 = vector.extract %slice3A_188[0] : f32 from vector<1xf32>
      %mul3A_190 = vector.broadcast %squeeze3A_189 : f32 to vector<16xf32>
      %mul3A_191 = arith.mulf %get3A_50, %mul3A_190 : vector<16xf32>
      %slice3A_192 = vector.extract_strided_slice %get3A_100 {offsets = [4], sizes = [1], strides = [1]} : vector<16xf32> to vector<1xf32>
      %squeeze3A_193 = vector.extract %slice3A_192[0] : f32 from vector<1xf32>
      %mul3A_194 = vector.broadcast %squeeze3A_193 : f32 to vector<16xf32>
      %mul3A_195 = arith.mulf %get3A_55, %mul3A_194 : vector<16xf32>
      %add3A_196 = arith.addf %mul3A_191, %mul3A_195 : vector<16xf32>
      %slice3A_197 = vector.extract_strided_slice %get3A_107 {offsets = [4], sizes = [1], strides = [1]} : vector<16xf32> to vector<1xf32>
      %squeeze3A_198 = vector.extract %slice3A_197[0] : f32 from vector<1xf32>
      %mul3A_199 = vector.broadcast %squeeze3A_198 : f32 to vector<16xf32>
      %mul3A_200 = arith.mulf %get3A_60, %mul3A_199 : vector<16xf32>
      %add3A_201 = arith.addf %add3A_196, %mul3A_200 : vector<16xf32>
      %add3A_202 = vector.broadcast %squeeze3A_187 : f32 to vector<16xf32>
      %add3A_203 = arith.addf %add3A_202, %add3A_201 : vector<16xf32>
      %min3A_204 = arith.minimumf %min3A_185, %add3A_203 : vector<16xf32>
      %slice3A_205 = vector.extract_strided_slice %get3A_112 {offsets = [5], sizes = [1], strides = [1]} : vector<16xf32> to vector<1xf32>
      %squeeze3A_206 = vector.extract %slice3A_205[0] : f32 from vector<1xf32>
      %slice3A_207 = vector.extract_strided_slice %get3A_93 {offsets = [5], sizes = [1], strides = [1]} : vector<16xf32> to vector<1xf32>
      %squeeze3A_208 = vector.extract %slice3A_207[0] : f32 from vector<1xf32>
      %mul3A_209 = vector.broadcast %squeeze3A_208 : f32 to vector<16xf32>
      %mul3A_210 = arith.mulf %get3A_50, %mul3A_209 : vector<16xf32>
      %slice3A_211 = vector.extract_strided_slice %get3A_100 {offsets = [5], sizes = [1], strides = [1]} : vector<16xf32> to vector<1xf32>
      %squeeze3A_212 = vector.extract %slice3A_211[0] : f32 from vector<1xf32>
      %mul3A_213 = vector.broadcast %squeeze3A_212 : f32 to vector<16xf32>
      %mul3A_214 = arith.mulf %get3A_55, %mul3A_213 : vector<16xf32>
      %add3A_215 = arith.addf %mul3A_210, %mul3A_214 : vector<16xf32>
      %slice3A_216 = vector.extract_strided_slice %get3A_107 {offsets = [5], sizes = [1], strides = [1]} : vector<16xf32> to vector<1xf32>
      %squeeze3A_217 = vector.extract %slice3A_216[0] : f32 from vector<1xf32>
      %mul3A_218 = vector.broadcast %squeeze3A_217 : f32 to vector<16xf32>
      %mul3A_219 = arith.mulf %get3A_60, %mul3A_218 : vector<16xf32>
      %add3A_220 = arith.addf %add3A_215, %mul3A_219 : vector<16xf32>
      %add3A_221 = vector.broadcast %squeeze3A_206 : f32 to vector<16xf32>
      %add3A_222 = arith.addf %add3A_221, %add3A_220 : vector<16xf32>
      %min3A_223 = arith.minimumf %min3A_204, %add3A_222 : vector<16xf32>
      %slice3A_224 = vector.extract_strided_slice %get3A_112 {offsets = [6], sizes = [1], strides = [1]} : vector<16xf32> to vector<1xf32>
      %squeeze3A_225 = vector.extract %slice3A_224[0] : f32 from vector<1xf32>
      %slice3A_226 = vector.extract_strided_slice %get3A_93 {offsets = [6], sizes = [1], strides = [1]} : vector<16xf32> to vector<1xf32>
      %squeeze3A_227 = vector.extract %slice3A_226[0] : f32 from vector<1xf32>
      %mul3A_228 = vector.broadcast %squeeze3A_227 : f32 to vector<16xf32>
      %mul3A_229 = arith.mulf %get3A_50, %mul3A_228 : vector<16xf32>
      %slice3A_230 = vector.extract_strided_slice %get3A_100 {offsets = [6], sizes = [1], strides = [1]} : vector<16xf32> to vector<1xf32>
      %squeeze3A_231 = vector.extract %slice3A_230[0] : f32 from vector<1xf32>
      %mul3A_232 = vector.broadcast %squeeze3A_231 : f32 to vector<16xf32>
      %mul3A_233 = arith.mulf %get3A_55, %mul3A_232 : vector<16xf32>
      %add3A_234 = arith.addf %mul3A_229, %mul3A_233 : vector<16xf32>
      %slice3A_235 = vector.extract_strided_slice %get3A_107 {offsets = [6], sizes = [1], strides = [1]} : vector<16xf32> to vector<1xf32>
      %squeeze3A_236 = vector.extract %slice3A_235[0] : f32 from vector<1xf32>
      %mul3A_237 = vector.broadcast %squeeze3A_236 : f32 to vector<16xf32>
      %mul3A_238 = arith.mulf %get3A_60, %mul3A_237 : vector<16xf32>
      %add3A_239 = arith.addf %add3A_234, %mul3A_238 : vector<16xf32>
      %add3A_240 = vector.broadcast %squeeze3A_225 : f32 to vector<16xf32>
      %add3A_241 = arith.addf %add3A_240, %add3A_239 : vector<16xf32>
      %min3A_242 = arith.minimumf %min3A_223, %add3A_241 : vector<16xf32>
      %slice3A_243 = vector.extract_strided_slice %get3A_112 {offsets = [7], sizes = [1], strides = [1]} : vector<16xf32> to vector<1xf32>
      %squeeze3A_244 = vector.extract %slice3A_243[0] : f32 from vector<1xf32>
      %slice3A_245 = vector.extract_strided_slice %get3A_93 {offsets = [7], sizes = [1], strides = [1]} : vector<16xf32> to vector<1xf32>
      %squeeze3A_246 = vector.extract %slice3A_245[0] : f32 from vector<1xf32>
      %mul3A_247 = vector.broadcast %squeeze3A_246 : f32 to vector<16xf32>
      %mul3A_248 = arith.mulf %get3A_50, %mul3A_247 : vector<16xf32>
      %slice3A_249 = vector.extract_strided_slice %get3A_100 {offsets = [7], sizes = [1], strides = [1]} : vector<16xf32> to vector<1xf32>
      %squeeze3A_250 = vector.extract %slice3A_249[0] : f32 from vector<1xf32>
      %mul3A_251 = vector.broadcast %squeeze3A_250 : f32 to vector<16xf32>
      %mul3A_252 = arith.mulf %get3A_55, %mul3A_251 : vector<16xf32>
      %add3A_253 = arith.addf %mul3A_248, %mul3A_252 : vector<16xf32>
      %slice3A_254 = vector.extract_strided_slice %get3A_107 {offsets = [7], sizes = [1], strides = [1]} : vector<16xf32> to vector<1xf32>
      %squeeze3A_255 = vector.extract %slice3A_254[0] : f32 from vector<1xf32>
      %mul3A_256 = vector.broadcast %squeeze3A_255 : f32 to vector<16xf32>
      %mul3A_257 = arith.mulf %get3A_60, %mul3A_256 : vector<16xf32>
      %add3A_258 = arith.addf %add3A_253, %mul3A_257 : vector<16xf32>
      %add3A_259 = vector.broadcast %squeeze3A_244 : f32 to vector<16xf32>
      %add3A_260 = arith.addf %add3A_259, %add3A_258 : vector<16xf32>
      %min3A_261 = arith.minimumf %min3A_242, %add3A_260 : vector<16xf32>
      %slice3A_262 = vector.extract_strided_slice %get3A_112 {offsets = [8], sizes = [1], strides = [1]} : vector<16xf32> to vector<1xf32>
      %squeeze3A_263 = vector.extract %slice3A_262[0] : f32 from vector<1xf32>
      %slice3A_264 = vector.extract_strided_slice %get3A_93 {offsets = [8], sizes = [1], strides = [1]} : vector<16xf32> to vector<1xf32>
      %squeeze3A_265 = vector.extract %slice3A_264[0] : f32 from vector<1xf32>
      %mul3A_266 = vector.broadcast %squeeze3A_265 : f32 to vector<16xf32>
      %mul3A_267 = arith.mulf %get3A_50, %mul3A_266 : vector<16xf32>
      %slice3A_268 = vector.extract_strided_slice %get3A_100 {offsets = [8], sizes = [1], strides = [1]} : vector<16xf32> to vector<1xf32>
      %squeeze3A_269 = vector.extract %slice3A_268[0] : f32 from vector<1xf32>
      %mul3A_270 = vector.broadcast %squeeze3A_269 : f32 to vector<16xf32>
      %mul3A_271 = arith.mulf %get3A_55, %mul3A_270 : vector<16xf32>
      %add3A_272 = arith.addf %mul3A_267, %mul3A_271 : vector<16xf32>
      %slice3A_273 = vector.extract_strided_slice %get3A_107 {offsets = [8], sizes = [1], strides = [1]} : vector<16xf32> to vector<1xf32>
      %squeeze3A_274 = vector.extract %slice3A_273[0] : f32 from vector<1xf32>
      %mul3A_275 = vector.broadcast %squeeze3A_274 : f32 to vector<16xf32>
      %mul3A_276 = arith.mulf %get3A_60, %mul3A_275 : vector<16xf32>
      %add3A_277 = arith.addf %add3A_272, %mul3A_276 : vector<16xf32>
      %add3A_278 = vector.broadcast %squeeze3A_263 : f32 to vector<16xf32>
      %add3A_279 = arith.addf %add3A_278, %add3A_277 : vector<16xf32>
      %min3A_280 = arith.minimumf %min3A_261, %add3A_279 : vector<16xf32>
      %slice3A_281 = vector.extract_strided_slice %get3A_112 {offsets = [9], sizes = [1], strides = [1]} : vector<16xf32> to vector<1xf32>
      %squeeze3A_282 = vector.extract %slice3A_281[0] : f32 from vector<1xf32>
      %slice3A_283 = vector.extract_strided_slice %get3A_93 {offsets = [9], sizes = [1], strides = [1]} : vector<16xf32> to vector<1xf32>
      %squeeze3A_284 = vector.extract %slice3A_283[0] : f32 from vector<1xf32>
      %mul3A_285 = vector.broadcast %squeeze3A_284 : f32 to vector<16xf32>
      %mul3A_286 = arith.mulf %get3A_50, %mul3A_285 : vector<16xf32>
      %slice3A_287 = vector.extract_strided_slice %get3A_100 {offsets = [9], sizes = [1], strides = [1]} : vector<16xf32> to vector<1xf32>
      %squeeze3A_288 = vector.extract %slice3A_287[0] : f32 from vector<1xf32>
      %mul3A_289 = vector.broadcast %squeeze3A_288 : f32 to vector<16xf32>
      %mul3A_290 = arith.mulf %get3A_55, %mul3A_289 : vector<16xf32>
      %add3A_291 = arith.addf %mul3A_286, %mul3A_290 : vector<16xf32>
      %slice3A_292 = vector.extract_strided_slice %get3A_107 {offsets = [9], sizes = [1], strides = [1]} : vector<16xf32> to vector<1xf32>
      %squeeze3A_293 = vector.extract %slice3A_292[0] : f32 from vector<1xf32>
      %mul3A_294 = vector.broadcast %squeeze3A_293 : f32 to vector<16xf32>
      %mul3A_295 = arith.mulf %get3A_60, %mul3A_294 : vector<16xf32>
      %add3A_296 = arith.addf %add3A_291, %mul3A_295 : vector<16xf32>
      %add3A_297 = vector.broadcast %squeeze3A_282 : f32 to vector<16xf32>
      %add3A_298 = arith.addf %add3A_297, %add3A_296 : vector<16xf32>
      %min3A_299 = arith.minimumf %min3A_280, %add3A_298 : vector<16xf32>
      %slice3A_300 = vector.extract_strided_slice %get3A_112 {offsets = [10], sizes = [1], strides = [1]} : vector<16xf32> to vector<1xf32>
      %squeeze3A_301 = vector.extract %slice3A_300[0] : f32 from vector<1xf32>
      %slice3A_302 = vector.extract_strided_slice %get3A_93 {offsets = [10], sizes = [1], strides = [1]} : vector<16xf32> to vector<1xf32>
      %squeeze3A_303 = vector.extract %slice3A_302[0] : f32 from vector<1xf32>
      %mul3A_304 = vector.broadcast %squeeze3A_303 : f32 to vector<16xf32>
      %mul3A_305 = arith.mulf %get3A_50, %mul3A_304 : vector<16xf32>
      %slice3A_306 = vector.extract_strided_slice %get3A_100 {offsets = [10], sizes = [1], strides = [1]} : vector<16xf32> to vector<1xf32>
      %squeeze3A_307 = vector.extract %slice3A_306[0] : f32 from vector<1xf32>
      %mul3A_308 = vector.broadcast %squeeze3A_307 : f32 to vector<16xf32>
      %mul3A_309 = arith.mulf %get3A_55, %mul3A_308 : vector<16xf32>
      %add3A_310 = arith.addf %mul3A_305, %mul3A_309 : vector<16xf32>
      %slice3A_311 = vector.extract_strided_slice %get3A_107 {offsets = [10], sizes = [1], strides = [1]} : vector<16xf32> to vector<1xf32>
      %squeeze3A_312 = vector.extract %slice3A_311[0] : f32 from vector<1xf32>
      %mul3A_313 = vector.broadcast %squeeze3A_312 : f32 to vector<16xf32>
      %mul3A_314 = arith.mulf %get3A_60, %mul3A_313 : vector<16xf32>
      %add3A_315 = arith.addf %add3A_310, %mul3A_314 : vector<16xf32>
      %add3A_316 = vector.broadcast %squeeze3A_301 : f32 to vector<16xf32>
      %add3A_317 = arith.addf %add3A_316, %add3A_315 : vector<16xf32>
      %min3A_318 = arith.minimumf %min3A_299, %add3A_317 : vector<16xf32>
      %slice3A_319 = vector.extract_strided_slice %get3A_112 {offsets = [11], sizes = [1], strides = [1]} : vector<16xf32> to vector<1xf32>
      %squeeze3A_320 = vector.extract %slice3A_319[0] : f32 from vector<1xf32>
      %slice3A_321 = vector.extract_strided_slice %get3A_93 {offsets = [11], sizes = [1], strides = [1]} : vector<16xf32> to vector<1xf32>
      %squeeze3A_322 = vector.extract %slice3A_321[0] : f32 from vector<1xf32>
      %mul3A_323 = vector.broadcast %squeeze3A_322 : f32 to vector<16xf32>
      %mul3A_324 = arith.mulf %get3A_50, %mul3A_323 : vector<16xf32>
      %slice3A_325 = vector.extract_strided_slice %get3A_100 {offsets = [11], sizes = [1], strides = [1]} : vector<16xf32> to vector<1xf32>
      %squeeze3A_326 = vector.extract %slice3A_325[0] : f32 from vector<1xf32>
      %mul3A_327 = vector.broadcast %squeeze3A_326 : f32 to vector<16xf32>
      %mul3A_328 = arith.mulf %get3A_55, %mul3A_327 : vector<16xf32>
      %add3A_329 = arith.addf %mul3A_324, %mul3A_328 : vector<16xf32>
      %slice3A_330 = vector.extract_strided_slice %get3A_107 {offsets = [11], sizes = [1], strides = [1]} : vector<16xf32> to vector<1xf32>
      %squeeze3A_331 = vector.extract %slice3A_330[0] : f32 from vector<1xf32>
      %mul3A_332 = vector.broadcast %squeeze3A_331 : f32 to vector<16xf32>
      %mul3A_333 = arith.mulf %get3A_60, %mul3A_332 : vector<16xf32>
      %add3A_334 = arith.addf %add3A_329, %mul3A_333 : vector<16xf32>
      %add3A_335 = vector.broadcast %squeeze3A_320 : f32 to vector<16xf32>
      %add3A_336 = arith.addf %add3A_335, %add3A_334 : vector<16xf32>
      %min3A_337 = arith.minimumf %min3A_318, %add3A_336 : vector<16xf32>
      %slice3A_338 = vector.extract_strided_slice %get3A_112 {offsets = [12], sizes = [1], strides = [1]} : vector<16xf32> to vector<1xf32>
      %squeeze3A_339 = vector.extract %slice3A_338[0] : f32 from vector<1xf32>
      %slice3A_340 = vector.extract_strided_slice %get3A_93 {offsets = [12], sizes = [1], strides = [1]} : vector<16xf32> to vector<1xf32>
      %squeeze3A_341 = vector.extract %slice3A_340[0] : f32 from vector<1xf32>
      %mul3A_342 = vector.broadcast %squeeze3A_341 : f32 to vector<16xf32>
      %mul3A_343 = arith.mulf %get3A_50, %mul3A_342 : vector<16xf32>
      %slice3A_344 = vector.extract_strided_slice %get3A_100 {offsets = [12], sizes = [1], strides = [1]} : vector<16xf32> to vector<1xf32>
      %squeeze3A_345 = vector.extract %slice3A_344[0] : f32 from vector<1xf32>
      %mul3A_346 = vector.broadcast %squeeze3A_345 : f32 to vector<16xf32>
      %mul3A_347 = arith.mulf %get3A_55, %mul3A_346 : vector<16xf32>
      %add3A_348 = arith.addf %mul3A_343, %mul3A_347 : vector<16xf32>
      %slice3A_349 = vector.extract_strided_slice %get3A_107 {offsets = [12], sizes = [1], strides = [1]} : vector<16xf32> to vector<1xf32>
      %squeeze3A_350 = vector.extract %slice3A_349[0] : f32 from vector<1xf32>
      %mul3A_351 = vector.broadcast %squeeze3A_350 : f32 to vector<16xf32>
      %mul3A_352 = arith.mulf %get3A_60, %mul3A_351 : vector<16xf32>
      %add3A_353 = arith.addf %add3A_348, %mul3A_352 : vector<16xf32>
      %add3A_354 = vector.broadcast %squeeze3A_339 : f32 to vector<16xf32>
      %add3A_355 = arith.addf %add3A_354, %add3A_353 : vector<16xf32>
      %min3A_356 = arith.minimumf %min3A_337, %add3A_355 : vector<16xf32>
      %slice3A_357 = vector.extract_strided_slice %get3A_112 {offsets = [13], sizes = [1], strides = [1]} : vector<16xf32> to vector<1xf32>
      %squeeze3A_358 = vector.extract %slice3A_357[0] : f32 from vector<1xf32>
      %slice3A_359 = vector.extract_strided_slice %get3A_93 {offsets = [13], sizes = [1], strides = [1]} : vector<16xf32> to vector<1xf32>
      %squeeze3A_360 = vector.extract %slice3A_359[0] : f32 from vector<1xf32>
      %mul3A_361 = vector.broadcast %squeeze3A_360 : f32 to vector<16xf32>
      %mul3A_362 = arith.mulf %get3A_50, %mul3A_361 : vector<16xf32>
      %slice3A_363 = vector.extract_strided_slice %get3A_100 {offsets = [13], sizes = [1], strides = [1]} : vector<16xf32> to vector<1xf32>
      %squeeze3A_364 = vector.extract %slice3A_363[0] : f32 from vector<1xf32>
      %mul3A_365 = vector.broadcast %squeeze3A_364 : f32 to vector<16xf32>
      %mul3A_366 = arith.mulf %get3A_55, %mul3A_365 : vector<16xf32>
      %add3A_367 = arith.addf %mul3A_362, %mul3A_366 : vector<16xf32>
      %slice3A_368 = vector.extract_strided_slice %get3A_107 {offsets = [13], sizes = [1], strides = [1]} : vector<16xf32> to vector<1xf32>
      %squeeze3A_369 = vector.extract %slice3A_368[0] : f32 from vector<1xf32>
      %mul3A_370 = vector.broadcast %squeeze3A_369 : f32 to vector<16xf32>
      %mul3A_371 = arith.mulf %get3A_60, %mul3A_370 : vector<16xf32>
      %add3A_372 = arith.addf %add3A_367, %mul3A_371 : vector<16xf32>
      %add3A_373 = vector.broadcast %squeeze3A_358 : f32 to vector<16xf32>
      %add3A_374 = arith.addf %add3A_373, %add3A_372 : vector<16xf32>
      %min3A_375 = arith.minimumf %min3A_356, %add3A_374 : vector<16xf32>
      %slice3A_376 = vector.extract_strided_slice %get3A_112 {offsets = [14], sizes = [1], strides = [1]} : vector<16xf32> to vector<1xf32>
      %squeeze3A_377 = vector.extract %slice3A_376[0] : f32 from vector<1xf32>
      %slice3A_378 = vector.extract_strided_slice %get3A_93 {offsets = [14], sizes = [1], strides = [1]} : vector<16xf32> to vector<1xf32>
      %squeeze3A_379 = vector.extract %slice3A_378[0] : f32 from vector<1xf32>
      %mul3A_380 = vector.broadcast %squeeze3A_379 : f32 to vector<16xf32>
      %mul3A_381 = arith.mulf %get3A_50, %mul3A_380 : vector<16xf32>
      %slice3A_382 = vector.extract_strided_slice %get3A_100 {offsets = [14], sizes = [1], strides = [1]} : vector<16xf32> to vector<1xf32>
      %squeeze3A_383 = vector.extract %slice3A_382[0] : f32 from vector<1xf32>
      %mul3A_384 = vector.broadcast %squeeze3A_383 : f32 to vector<16xf32>
      %mul3A_385 = arith.mulf %get3A_55, %mul3A_384 : vector<16xf32>
      %add3A_386 = arith.addf %mul3A_381, %mul3A_385 : vector<16xf32>
      %slice3A_387 = vector.extract_strided_slice %get3A_107 {offsets = [14], sizes = [1], strides = [1]} : vector<16xf32> to vector<1xf32>
      %squeeze3A_388 = vector.extract %slice3A_387[0] : f32 from vector<1xf32>
      %mul3A_389 = vector.broadcast %squeeze3A_388 : f32 to vector<16xf32>
      %mul3A_390 = arith.mulf %get3A_60, %mul3A_389 : vector<16xf32>
      %add3A_391 = arith.addf %add3A_386, %mul3A_390 : vector<16xf32>
      %add3A_392 = vector.broadcast %squeeze3A_377 : f32 to vector<16xf32>
      %add3A_393 = arith.addf %add3A_392, %add3A_391 : vector<16xf32>
      %min3A_394 = arith.minimumf %min3A_375, %add3A_393 : vector<16xf32>
      %slice3A_395 = vector.extract_strided_slice %get3A_112 {offsets = [15], sizes = [1], strides = [1]} : vector<16xf32> to vector<1xf32>
      %squeeze3A_396 = vector.extract %slice3A_395[0] : f32 from vector<1xf32>
      %slice3A_397 = vector.extract_strided_slice %get3A_93 {offsets = [15], sizes = [1], strides = [1]} : vector<16xf32> to vector<1xf32>
      %squeeze3A_398 = vector.extract %slice3A_397[0] : f32 from vector<1xf32>
      %mul3A_399 = vector.broadcast %squeeze3A_398 : f32 to vector<16xf32>
      %mul3A_400 = arith.mulf %get3A_50, %mul3A_399 : vector<16xf32>
      %slice3A_401 = vector.extract_strided_slice %get3A_100 {offsets = [15], sizes = [1], strides = [1]} : vector<16xf32> to vector<1xf32>
      %squeeze3A_402 = vector.extract %slice3A_401[0] : f32 from vector<1xf32>
      %mul3A_403 = vector.broadcast %squeeze3A_402 : f32 to vector<16xf32>
      %mul3A_404 = arith.mulf %get3A_55, %mul3A_403 : vector<16xf32>
      %add3A_405 = arith.addf %mul3A_400, %mul3A_404 : vector<16xf32>
      %slice3A_406 = vector.extract_strided_slice %get3A_107 {offsets = [15], sizes = [1], strides = [1]} : vector<16xf32> to vector<1xf32>
      %squeeze3A_407 = vector.extract %slice3A_406[0] : f32 from vector<1xf32>
      %mul3A_408 = vector.broadcast %squeeze3A_407 : f32 to vector<16xf32>
      %mul3A_409 = arith.mulf %get3A_60, %mul3A_408 : vector<16xf32>
      %add3A_410 = arith.addf %add3A_405, %mul3A_409 : vector<16xf32>
      %add3A_411 = vector.broadcast %squeeze3A_396 : f32 to vector<16xf32>
      %add3A_412 = arith.addf %add3A_411, %add3A_410 : vector<16xf32>
      %min3A_413 = arith.minimumf %min3A_394, %add3A_412 : vector<16xf32>
      scf.yield %min3A_413 : vector<16xf32>
    }
    %scan3A_68 = arith.constant 256 : i32
    %get3A_69 = arith.index_cast %mul3A_45 : i32 to index
    %get3A_70 = tpu.vector_load %arg12[%get3A_69] {strides = array<i32>} : memref<128xf32, #tpu.memory_space<vmem>>, vector<16xf32>,
    %get3A_71 = vector.shape_cast %get3A_70 : vector<16xf32> to vector<16xf32>
    %add3A_72 = arith.addf %scan3A_67, %get3A_71 : vector<16xf32>
    %max3A = arith.maximumf %add3A_72, %broadcast_in_dim3A_46 : vector<16xf32>
    %swap3A = arith.constant 0 : index
    %swap3A_73 = tpu.vector_load %arg14[%swap3A] {strides = array<i32>} : memref<16xf32, #tpu.memory_space<vmem>>, vector<16xf32>,
    %swap3A_74 = vector.shape_cast %swap3A_73 : vector<16xf32> to vector<16xf32>
    %swap3A_75 = vector.shape_cast %max3A : vector<16xf32> to vector<16xf32>
    tpu.vector_store %arg14[%swap3A], %swap3A_75 {strides = array<i32>} : memref<16xf32, #tpu.memory_space<vmem>>, vector<16xf32>,
    "tpu.region"() ({
      %run_scoped3A = tpu.sem_alloc : memref<!tpu.dma_semaphore, #tpu.memory_space<semaphore_mem>>
      %dma_start3A = arith.constant 0 : i32
      %dma_start3A_85 = tpu.memref_slice %arg4[%add3A, %dma_start3A] : memref<32x16xf32, #tpu.memory_space<hbm>> -> memref<1x16xf32, #tpu.memory_space<hbm>>
      %dma_start3A_86 = tpu.memref_squeeze %dma_start3A_85 : memref<1x16xf32, #tpu.memory_space<hbm>> -> memref<16xf32, #tpu.memory_space<hbm>>
      %dma_start3A_87 = arith.constant 0 : i32
      %dma_start3A_88 = tpu.memref_slice %arg4[%add3A, %dma_start3A_87] : memref<32x16xf32, #tpu.memory_space<hbm>> -> memref<1x16xf32, #tpu.memory_space<hbm>>
      %dma_start3A_89 = tpu.memref_squeeze %dma_start3A_88 : memref<1x16xf32, #tpu.memory_space<hbm>> -> memref<16xf32, #tpu.memory_space<hbm>>
      tpu.enqueue_dma source(%arg14 : memref<16xf32, #tpu.memory_space<vmem>>) target(%dma_start3A_89 : memref<16xf32, #tpu.memory_space<hbm>>) target_semaphore(%run_scoped3A : memref<!tpu.dma_semaphore, #tpu.memory_space<semaphore_mem>>)
      %dma_wait3A = arith.constant 0 : i32
      %dma_wait3A_90 = tpu.memref_slice %arg4[%add3A, %dma_wait3A] : memref<32x16xf32, #tpu.memory_space<hbm>> -> memref<1x16xf32, #tpu.memory_space<hbm>>
      %dma_wait3A_91 = tpu.memref_squeeze %dma_wait3A_90 : memref<1x16xf32, #tpu.memory_space<hbm>> -> memref<16xf32, #tpu.memory_space<hbm>>
      %dma_wait3A_92 = arith.constant 0 : i32
      %dma_wait3A_93 = tpu.memref_slice %arg4[%add3A, %dma_wait3A_92] : memref<32x16xf32, #tpu.memory_space<hbm>> -> memref<1x16xf32, #tpu.memory_space<hbm>>
      %dma_wait3A_94 = tpu.memref_squeeze %dma_wait3A_93 : memref<1x16xf32, #tpu.memory_space<hbm>> -> memref<16xf32, #tpu.memory_space<hbm>>
      tpu.wait_dma2 semaphore(%run_scoped3A : memref<!tpu.dma_semaphore, #tpu.memory_space<semaphore_mem>>) src(%arg14 : memref<16xf32, #tpu.memory_space<vmem>>) dst(%dma_wait3A_94 : memref<16xf32, #tpu.memory_space<hbm>>)
      tpu.yield
    }) : () -> ()
    %mul3A_76 = arith.constant 512 : i32
    %mul3A_77 = arith.muli %select_n3A_30, %mul3A_76 : i32
    %scan3A_78 = arith.constant 0 : i32
    %scan3A_79 = arith.constant 0 : i32
    %scan3A_80 = arith.constant 16 : i32
    %scan3A_81 = arith.addi %scan3A_79, %scan3A_80 : i32
    %scan3A_82 = arith.constant 1 : i32
    %scan3A_83 = scf.for %scan3A_85 = %scan3A_79 to %scan3A_81 step %scan3A_82 iter_args(%scan3A_86 = %scan3A_78) -> (i32)  : i32 {
      %mul3A_87 = arith.constant 32 : i32
      %mul3A_88 = arith.muli %scan3A_85, %mul3A_87 : i32
      %add3A_89 = arith.addi %mul3A_77, %mul3A_88 : i32
      %add3A_90 = arith.constant 16 : i32
      %add3A_91 = arith.addi %add3A_89, %add3A_90 : i32
      %get3A_92 = arith.constant 0 : i32
      %get3A_93 = arith.index_cast %get3A_92 : i32 to index
      %get3A_94 = arith.index_cast %add3A_89 : i32 to index
      %get3A_95 = tpu.vector_load %arg9[%get3A_93, %get3A_94] {strides = array<i32>} : memref<3x4096xf32, #tpu.memory_space<vmem>>, vector<1x16xf32>,
      %get3A_96 = vector.shape_cast %get3A_95 : vector<1x16xf32> to vector<16xf32>
      %get3A_97 = arith.constant 1 : i32
      %get3A_98 = arith.index_cast %get3A_97 : i32 to index
      %get3A_99 = arith.index_cast %add3A_89 : i32 to index
      %get3A_100 = tpu.vector_load %arg9[%get3A_98, %get3A_99] {strides = array<i32>} : memref<3x4096xf32, #tpu.memory_space<vmem>>, vector<1x16xf32>,
      %get3A_101 = vector.shape_cast %get3A_100 : vector<1x16xf32> to vector<16xf32>
      %get3A_102 = arith.constant 2 : i32
      %get3A_103 = arith.index_cast %get3A_102 : i32 to index
      %get3A_104 = arith.index_cast %add3A_89 : i32 to index
      %get3A_105 = tpu.vector_load %arg9[%get3A_103, %get3A_104] {strides = array<i32>} : memref<3x4096xf32, #tpu.memory_space<vmem>>, vector<1x16xf32>,
      %get3A_106 = vector.shape_cast %get3A_105 : vector<1x16xf32> to vector<16xf32>
      %get3A_107 = arith.constant 0 : i32
      %get3A_108 = arith.index_cast %get3A_107 : i32 to index
      %get3A_109 = arith.index_cast %add3A_91 : i32 to index
      %get3A_110 = tpu.vector_load %arg9[%get3A_108, %get3A_109] {strides = array<i32>} : memref<3x4096xf32, #tpu.memory_space<vmem>>, vector<1x16xf32>,
      %get3A_111 = vector.shape_cast %get3A_110 : vector<1x16xf32> to vector<16xf32>
      %get3A_112 = arith.constant 1 : i32
      %get3A_113 = arith.index_cast %get3A_112 : i32 to index
      %get3A_114 = arith.index_cast %add3A_91 : i32 to index
      %get3A_115 = tpu.vector_load %arg9[%get3A_113, %get3A_114] {strides = array<i32>} : memref<3x4096xf32, #tpu.memory_space<vmem>>, vector<1x16xf32>,
      %get3A_116 = vector.shape_cast %get3A_115 : vector<1x16xf32> to vector<16xf32>
      %get3A_117 = arith.constant 2 : i32
      %get3A_118 = arith.index_cast %get3A_117 : i32 to index
      %get3A_119 = arith.index_cast %add3A_91 : i32 to index
      %get3A_120 = tpu.vector_load %arg9[%get3A_118, %get3A_119] {strides = array<i32>} : memref<3x4096xf32, #tpu.memory_space<vmem>>, vector<1x16xf32>,
      %get3A_121 = vector.shape_cast %get3A_120 : vector<1x16xf32> to vector<16xf32>
      %broadcast_in_dim3A_122 = arith.constant 1.000000e+30 : f32
      %broadcast_in_dim3A_123 = vector.broadcast %broadcast_in_dim3A_122 : f32 to vector<16xf32>
      %broadcast_in_dim3A_124 = arith.constant 1.000000e+30 : f32
      %broadcast_in_dim3A_125 = vector.broadcast %broadcast_in_dim3A_124 : f32 to vector<16xf32>
      %scan3A_126 = arith.constant 0 : i32
      %scan3A_127 = arith.constant 8 : i32
      %scan3A_128 = arith.addi %scan3A_126, %scan3A_127 : i32
      %scan3A_129 = arith.constant 1 : i32
      %scan3A_130:2 = scf.for %scan3A_161 = %scan3A_126 to %scan3A_128 step %scan3A_129 iter_args(%scan3A_162 = %broadcast_in_dim3A_123, %scan3A_163 = %broadcast_in_dim3A_125) -> (vector<16xf32>, vector<16xf32>)  : i32 {
        %mul3A_164 = arith.constant 16 : i32
        %mul3A_165 = arith.muli %scan3A_161, %mul3A_164 : i32
        %get3A_166 = arith.constant 0 : i32
        %get3A_167 = arith.index_cast %get3A_166 : i32 to index
        %get3A_168 = arith.index_cast %mul3A_165 : i32 to index
        %get3A_169 = tpu.vector_load %arg10[%get3A_167, %get3A_168] {strides = array<i32>} : memref<3x128xf32, #tpu.memory_space<vmem>>, vector<1x16xf32>,
        %get3A_170 = vector.shape_cast %get3A_169 : vector<1x16xf32> to vector<16xf32>
        %mul3A_171 = arith.constant 16 : i32
        %mul3A_172 = arith.muli %scan3A_161, %mul3A_171 : i32
        %get3A_173 = arith.constant 1 : i32
        %get3A_174 = arith.index_cast %get3A_173 : i32 to index
        %get3A_175 = arith.index_cast %mul3A_172 : i32 to index
        %get3A_176 = tpu.vector_load %arg10[%get3A_174, %get3A_175] {strides = array<i32>} : memref<3x128xf32, #tpu.memory_space<vmem>>, vector<1x16xf32>,
        %get3A_177 = vector.shape_cast %get3A_176 : vector<1x16xf32> to vector<16xf32>
        %mul3A_178 = arith.constant 16 : i32
        %mul3A_179 = arith.muli %scan3A_161, %mul3A_178 : i32
        %get3A_180 = arith.constant 2 : i32
        %get3A_181 = arith.index_cast %get3A_180 : i32 to index
        %get3A_182 = arith.index_cast %mul3A_179 : i32 to index
        %get3A_183 = tpu.vector_load %arg10[%get3A_181, %get3A_182] {strides = array<i32>} : memref<3x128xf32, #tpu.memory_space<vmem>>, vector<1x16xf32>,
        %get3A_184 = vector.shape_cast %get3A_183 : vector<1x16xf32> to vector<16xf32>
        %mul3A_185 = arith.constant 16 : i32
        %mul3A_186 = arith.muli %scan3A_161, %mul3A_185 : i32
        %get3A_187 = arith.index_cast %mul3A_186 : i32 to index
        %get3A_188 = tpu.vector_load %arg12[%get3A_187] {strides = array<i32>} : memref<128xf32, #tpu.memory_space<vmem>>, vector<16xf32>,
        %get3A_189 = vector.shape_cast %get3A_188 : vector<16xf32> to vector<16xf32>
        %slice3A = vector.extract_strided_slice %get3A_170 {offsets = [0], sizes = [1], strides = [1]} : vector<16xf32> to vector<1xf32>
        %squeeze3A = vector.extract %slice3A[0] : f32 from vector<1xf32>
        %slice3A_190 = vector.extract_strided_slice %get3A_177 {offsets = [0], sizes = [1], strides = [1]} : vector<16xf32> to vector<1xf32>
        %squeeze3A_191 = vector.extract %slice3A_190[0] : f32 from vector<1xf32>
        %slice3A_192 = vector.extract_strided_slice %get3A_184 {offsets = [0], sizes = [1], strides = [1]} : vector<16xf32> to vector<1xf32>
        %squeeze3A_193 = vector.extract %slice3A_192[0] : f32 from vector<1xf32>
        %slice3A_194 = vector.extract_strided_slice %get3A_189 {offsets = [0], sizes = [1], strides = [1]} : vector<16xf32> to vector<1xf32>
        %squeeze3A_195 = vector.extract %slice3A_194[0] : f32 from vector<1xf32>
        %mul3A_196 = vector.broadcast %squeeze3A : f32 to vector<16xf32>
        %mul3A_197 = arith.mulf %get3A_96, %mul3A_196 : vector<16xf32>
        %mul3A_198 = vector.broadcast %squeeze3A_191 : f32 to vector<16xf32>
        %mul3A_199 = arith.mulf %get3A_101, %mul3A_198 : vector<16xf32>
        %add3A_200 = arith.addf %mul3A_197, %mul3A_199 : vector<16xf32>
        %mul3A_201 = vector.broadcast %squeeze3A_193 : f32 to vector<16xf32>
        %mul3A_202 = arith.mulf %get3A_106, %mul3A_201 : vector<16xf32>
        %add3A_203 = arith.addf %add3A_200, %mul3A_202 : vector<16xf32>
        %add3A_204 = vector.broadcast %squeeze3A_195 : f32 to vector<16xf32>
        %add3A_205 = arith.addf %add3A_204, %add3A_203 : vector<16xf32>
        %mul3A_206 = vector.broadcast %squeeze3A : f32 to vector<16xf32>
        %mul3A_207 = arith.mulf %get3A_111, %mul3A_206 : vector<16xf32>
        %mul3A_208 = vector.broadcast %squeeze3A_191 : f32 to vector<16xf32>
        %mul3A_209 = arith.mulf %get3A_116, %mul3A_208 : vector<16xf32>
        %add3A_210 = arith.addf %mul3A_207, %mul3A_209 : vector<16xf32>
        %mul3A_211 = vector.broadcast %squeeze3A_193 : f32 to vector<16xf32>
        %mul3A_212 = arith.mulf %get3A_121, %mul3A_211 : vector<16xf32>
        %add3A_213 = arith.addf %add3A_210, %mul3A_212 : vector<16xf32>
        %add3A_214 = vector.broadcast %squeeze3A_195 : f32 to vector<16xf32>
        %add3A_215 = arith.addf %add3A_214, %add3A_213 : vector<16xf32>
        %min3A = arith.minimumf %scan3A_162, %add3A_205 : vector<16xf32>
        %min3A_216 = arith.minimumf %scan3A_163, %add3A_215 : vector<16xf32>
        %slice3A_217 = vector.extract_strided_slice %get3A_170 {offsets = [1], sizes = [1], strides = [1]} : vector<16xf32> to vector<1xf32>
        %squeeze3A_218 = vector.extract %slice3A_217[0] : f32 from vector<1xf32>
        %slice3A_219 = vector.extract_strided_slice %get3A_177 {offsets = [1], sizes = [1], strides = [1]} : vector<16xf32> to vector<1xf32>
        %squeeze3A_220 = vector.extract %slice3A_219[0] : f32 from vector<1xf32>
        %slice3A_221 = vector.extract_strided_slice %get3A_184 {offsets = [1], sizes = [1], strides = [1]} : vector<16xf32> to vector<1xf32>
        %squeeze3A_222 = vector.extract %slice3A_221[0] : f32 from vector<1xf32>
        %slice3A_223 = vector.extract_strided_slice %get3A_189 {offsets = [1], sizes = [1], strides = [1]} : vector<16xf32> to vector<1xf32>
        %squeeze3A_224 = vector.extract %slice3A_223[0] : f32 from vector<1xf32>
        %mul3A_225 = vector.broadcast %squeeze3A_218 : f32 to vector<16xf32>
        %mul3A_226 = arith.mulf %get3A_96, %mul3A_225 : vector<16xf32>
        %mul3A_227 = vector.broadcast %squeeze3A_220 : f32 to vector<16xf32>
        %mul3A_228 = arith.mulf %get3A_101, %mul3A_227 : vector<16xf32>
        %add3A_229 = arith.addf %mul3A_226, %mul3A_228 : vector<16xf32>
        %mul3A_230 = vector.broadcast %squeeze3A_222 : f32 to vector<16xf32>
        %mul3A_231 = arith.mulf %get3A_106, %mul3A_230 : vector<16xf32>
        %add3A_232 = arith.addf %add3A_229, %mul3A_231 : vector<16xf32>
        %add3A_233 = vector.broadcast %squeeze3A_224 : f32 to vector<16xf32>
        %add3A_234 = arith.addf %add3A_233, %add3A_232 : vector<16xf32>
        %mul3A_235 = vector.broadcast %squeeze3A_218 : f32 to vector<16xf32>
        %mul3A_236 = arith.mulf %get3A_111, %mul3A_235 : vector<16xf32>
        %mul3A_237 = vector.broadcast %squeeze3A_220 : f32 to vector<16xf32>
        %mul3A_238 = arith.mulf %get3A_116, %mul3A_237 : vector<16xf32>
        %add3A_239 = arith.addf %mul3A_236, %mul3A_238 : vector<16xf32>
        %mul3A_240 = vector.broadcast %squeeze3A_222 : f32 to vector<16xf32>
        %mul3A_241 = arith.mulf %get3A_121, %mul3A_240 : vector<16xf32>
        %add3A_242 = arith.addf %add3A_239, %mul3A_241 : vector<16xf32>
        %add3A_243 = vector.broadcast %squeeze3A_224 : f32 to vector<16xf32>
        %add3A_244 = arith.addf %add3A_243, %add3A_242 : vector<16xf32>
        %min3A_245 = arith.minimumf %min3A, %add3A_234 : vector<16xf32>
        %min3A_246 = arith.minimumf %min3A_216, %add3A_244 : vector<16xf32>
        %slice3A_247 = vector.extract_strided_slice %get3A_170 {offsets = [2], sizes = [1], strides = [1]} : vector<16xf32> to vector<1xf32>
        %squeeze3A_248 = vector.extract %slice3A_247[0] : f32 from vector<1xf32>
        %slice3A_249 = vector.extract_strided_slice %get3A_177 {offsets = [2], sizes = [1], strides = [1]} : vector<16xf32> to vector<1xf32>
        %squeeze3A_250 = vector.extract %slice3A_249[0] : f32 from vector<1xf32>
        %slice3A_251 = vector.extract_strided_slice %get3A_184 {offsets = [2], sizes = [1], strides = [1]} : vector<16xf32> to vector<1xf32>
        %squeeze3A_252 = vector.extract %slice3A_251[0] : f32 from vector<1xf32>
        %slice3A_253 = vector.extract_strided_slice %get3A_189 {offsets = [2], sizes = [1], strides = [1]} : vector<16xf32> to vector<1xf32>
        %squeeze3A_254 = vector.extract %slice3A_253[0] : f32 from vector<1xf32>
        %mul3A_255 = vector.broadcast %squeeze3A_248 : f32 to vector<16xf32>
        %mul3A_256 = arith.mulf %get3A_96, %mul3A_255 : vector<16xf32>
        %mul3A_257 = vector.broadcast %squeeze3A_250 : f32 to vector<16xf32>
        %mul3A_258 = arith.mulf %get3A_101, %mul3A_257 : vector<16xf32>
        %add3A_259 = arith.addf %mul3A_256, %mul3A_258 : vector<16xf32>
        %mul3A_260 = vector.broadcast %squeeze3A_252 : f32 to vector<16xf32>
        %mul3A_261 = arith.mulf %get3A_106, %mul3A_260 : vector<16xf32>
        %add3A_262 = arith.addf %add3A_259, %mul3A_261 : vector<16xf32>
        %add3A_263 = vector.broadcast %squeeze3A_254 : f32 to vector<16xf32>
        %add3A_264 = arith.addf %add3A_263, %add3A_262 : vector<16xf32>
        %mul3A_265 = vector.broadcast %squeeze3A_248 : f32 to vector<16xf32>
        %mul3A_266 = arith.mulf %get3A_111, %mul3A_265 : vector<16xf32>
        %mul3A_267 = vector.broadcast %squeeze3A_250 : f32 to vector<16xf32>
        %mul3A_268 = arith.mulf %get3A_116, %mul3A_267 : vector<16xf32>
        %add3A_269 = arith.addf %mul3A_266, %mul3A_268 : vector<16xf32>
        %mul3A_270 = vector.broadcast %squeeze3A_252 : f32 to vector<16xf32>
        %mul3A_271 = arith.mulf %get3A_121, %mul3A_270 : vector<16xf32>
        %add3A_272 = arith.addf %add3A_269, %mul3A_271 : vector<16xf32>
        %add3A_273 = vector.broadcast %squeeze3A_254 : f32 to vector<16xf32>
        %add3A_274 = arith.addf %add3A_273, %add3A_272 : vector<16xf32>
        %min3A_275 = arith.minimumf %min3A_245, %add3A_264 : vector<16xf32>
        %min3A_276 = arith.minimumf %min3A_246, %add3A_274 : vector<16xf32>
        %slice3A_277 = vector.extract_strided_slice %get3A_170 {offsets = [3], sizes = [1], strides = [1]} : vector<16xf32> to vector<1xf32>
        %squeeze3A_278 = vector.extract %slice3A_277[0] : f32 from vector<1xf32>
        %slice3A_279 = vector.extract_strided_slice %get3A_177 {offsets = [3], sizes = [1], strides = [1]} : vector<16xf32> to vector<1xf32>
        %squeeze3A_280 = vector.extract %slice3A_279[0] : f32 from vector<1xf32>
        %slice3A_281 = vector.extract_strided_slice %get3A_184 {offsets = [3], sizes = [1], strides = [1]} : vector<16xf32> to vector<1xf32>
        %squeeze3A_282 = vector.extract %slice3A_281[0] : f32 from vector<1xf32>
        %slice3A_283 = vector.extract_strided_slice %get3A_189 {offsets = [3], sizes = [1], strides = [1]} : vector<16xf32> to vector<1xf32>
        %squeeze3A_284 = vector.extract %slice3A_283[0] : f32 from vector<1xf32>
        %mul3A_285 = vector.broadcast %squeeze3A_278 : f32 to vector<16xf32>
        %mul3A_286 = arith.mulf %get3A_96, %mul3A_285 : vector<16xf32>
        %mul3A_287 = vector.broadcast %squeeze3A_280 : f32 to vector<16xf32>
        %mul3A_288 = arith.mulf %get3A_101, %mul3A_287 : vector<16xf32>
        %add3A_289 = arith.addf %mul3A_286, %mul3A_288 : vector<16xf32>
        %mul3A_290 = vector.broadcast %squeeze3A_282 : f32 to vector<16xf32>
        %mul3A_291 = arith.mulf %get3A_106, %mul3A_290 : vector<16xf32>
        %add3A_292 = arith.addf %add3A_289, %mul3A_291 : vector<16xf32>
        %add3A_293 = vector.broadcast %squeeze3A_284 : f32 to vector<16xf32>
        %add3A_294 = arith.addf %add3A_293, %add3A_292 : vector<16xf32>
        %mul3A_295 = vector.broadcast %squeeze3A_278 : f32 to vector<16xf32>
        %mul3A_296 = arith.mulf %get3A_111, %mul3A_295 : vector<16xf32>
        %mul3A_297 = vector.broadcast %squeeze3A_280 : f32 to vector<16xf32>
        %mul3A_298 = arith.mulf %get3A_116, %mul3A_297 : vector<16xf32>
        %add3A_299 = arith.addf %mul3A_296, %mul3A_298 : vector<16xf32>
        %mul3A_300 = vector.broadcast %squeeze3A_282 : f32 to vector<16xf32>
        %mul3A_301 = arith.mulf %get3A_121, %mul3A_300 : vector<16xf32>
        %add3A_302 = arith.addf %add3A_299, %mul3A_301 : vector<16xf32>
        %add3A_303 = vector.broadcast %squeeze3A_284 : f32 to vector<16xf32>
        %add3A_304 = arith.addf %add3A_303, %add3A_302 : vector<16xf32>
        %min3A_305 = arith.minimumf %min3A_275, %add3A_294 : vector<16xf32>
        %min3A_306 = arith.minimumf %min3A_276, %add3A_304 : vector<16xf32>
        %slice3A_307 = vector.extract_strided_slice %get3A_170 {offsets = [4], sizes = [1], strides = [1]} : vector<16xf32> to vector<1xf32>
        %squeeze3A_308 = vector.extract %slice3A_307[0] : f32 from vector<1xf32>
        %slice3A_309 = vector.extract_strided_slice %get3A_177 {offsets = [4], sizes = [1], strides = [1]} : vector<16xf32> to vector<1xf32>
        %squeeze3A_310 = vector.extract %slice3A_309[0] : f32 from vector<1xf32>
        %slice3A_311 = vector.extract_strided_slice %get3A_184 {offsets = [4], sizes = [1], strides = [1]} : vector<16xf32> to vector<1xf32>
        %squeeze3A_312 = vector.extract %slice3A_311[0] : f32 from vector<1xf32>
        %slice3A_313 = vector.extract_strided_slice %get3A_189 {offsets = [4], sizes = [1], strides = [1]} : vector<16xf32> to vector<1xf32>
        %squeeze3A_314 = vector.extract %slice3A_313[0] : f32 from vector<1xf32>
        %mul3A_315 = vector.broadcast %squeeze3A_308 : f32 to vector<16xf32>
        %mul3A_316 = arith.mulf %get3A_96, %mul3A_315 : vector<16xf32>
        %mul3A_317 = vector.broadcast %squeeze3A_310 : f32 to vector<16xf32>
        %mul3A_318 = arith.mulf %get3A_101, %mul3A_317 : vector<16xf32>
        %add3A_319 = arith.addf %mul3A_316, %mul3A_318 : vector<16xf32>
        %mul3A_320 = vector.broadcast %squeeze3A_312 : f32 to vector<16xf32>
        %mul3A_321 = arith.mulf %get3A_106, %mul3A_320 : vector<16xf32>
        %add3A_322 = arith.addf %add3A_319, %mul3A_321 : vector<16xf32>
        %add3A_323 = vector.broadcast %squeeze3A_314 : f32 to vector<16xf32>
        %add3A_324 = arith.addf %add3A_323, %add3A_322 : vector<16xf32>
        %mul3A_325 = vector.broadcast %squeeze3A_308 : f32 to vector<16xf32>
        %mul3A_326 = arith.mulf %get3A_111, %mul3A_325 : vector<16xf32>
        %mul3A_327 = vector.broadcast %squeeze3A_310 : f32 to vector<16xf32>
        %mul3A_328 = arith.mulf %get3A_116, %mul3A_327 : vector<16xf32>
        %add3A_329 = arith.addf %mul3A_326, %mul3A_328 : vector<16xf32>
        %mul3A_330 = vector.broadcast %squeeze3A_312 : f32 to vector<16xf32>
        %mul3A_331 = arith.mulf %get3A_121, %mul3A_330 : vector<16xf32>
        %add3A_332 = arith.addf %add3A_329, %mul3A_331 : vector<16xf32>
        %add3A_333 = vector.broadcast %squeeze3A_314 : f32 to vector<16xf32>
        %add3A_334 = arith.addf %add3A_333, %add3A_332 : vector<16xf32>
        %min3A_335 = arith.minimumf %min3A_305, %add3A_324 : vector<16xf32>
        %min3A_336 = arith.minimumf %min3A_306, %add3A_334 : vector<16xf32>
        %slice3A_337 = vector.extract_strided_slice %get3A_170 {offsets = [5], sizes = [1], strides = [1]} : vector<16xf32> to vector<1xf32>
        %squeeze3A_338 = vector.extract %slice3A_337[0] : f32 from vector<1xf32>
        %slice3A_339 = vector.extract_strided_slice %get3A_177 {offsets = [5], sizes = [1], strides = [1]} : vector<16xf32> to vector<1xf32>
        %squeeze3A_340 = vector.extract %slice3A_339[0] : f32 from vector<1xf32>
        %slice3A_341 = vector.extract_strided_slice %get3A_184 {offsets = [5], sizes = [1], strides = [1]} : vector<16xf32> to vector<1xf32>
        %squeeze3A_342 = vector.extract %slice3A_341[0] : f32 from vector<1xf32>
        %slice3A_343 = vector.extract_strided_slice %get3A_189 {offsets = [5], sizes = [1], strides = [1]} : vector<16xf32> to vector<1xf32>
        %squeeze3A_344 = vector.extract %slice3A_343[0] : f32 from vector<1xf32>
        %mul3A_345 = vector.broadcast %squeeze3A_338 : f32 to vector<16xf32>
        %mul3A_346 = arith.mulf %get3A_96, %mul3A_345 : vector<16xf32>
        %mul3A_347 = vector.broadcast %squeeze3A_340 : f32 to vector<16xf32>
        %mul3A_348 = arith.mulf %get3A_101, %mul3A_347 : vector<16xf32>
        %add3A_349 = arith.addf %mul3A_346, %mul3A_348 : vector<16xf32>
        %mul3A_350 = vector.broadcast %squeeze3A_342 : f32 to vector<16xf32>
        %mul3A_351 = arith.mulf %get3A_106, %mul3A_350 : vector<16xf32>
        %add3A_352 = arith.addf %add3A_349, %mul3A_351 : vector<16xf32>
        %add3A_353 = vector.broadcast %squeeze3A_344 : f32 to vector<16xf32>
        %add3A_354 = arith.addf %add3A_353, %add3A_352 : vector<16xf32>
        %mul3A_355 = vector.broadcast %squeeze3A_338 : f32 to vector<16xf32>
        %mul3A_356 = arith.mulf %get3A_111, %mul3A_355 : vector<16xf32>
        %mul3A_357 = vector.broadcast %squeeze3A_340 : f32 to vector<16xf32>
        %mul3A_358 = arith.mulf %get3A_116, %mul3A_357 : vector<16xf32>
        %add3A_359 = arith.addf %mul3A_356, %mul3A_358 : vector<16xf32>
        %mul3A_360 = vector.broadcast %squeeze3A_342 : f32 to vector<16xf32>
        %mul3A_361 = arith.mulf %get3A_121, %mul3A_360 : vector<16xf32>
        %add3A_362 = arith.addf %add3A_359, %mul3A_361 : vector<16xf32>
        %add3A_363 = vector.broadcast %squeeze3A_344 : f32 to vector<16xf32>
        %add3A_364 = arith.addf %add3A_363, %add3A_362 : vector<16xf32>
        %min3A_365 = arith.minimumf %min3A_335, %add3A_354 : vector<16xf32>
        %min3A_366 = arith.minimumf %min3A_336, %add3A_364 : vector<16xf32>
        %slice3A_367 = vector.extract_strided_slice %get3A_170 {offsets = [6], sizes = [1], strides = [1]} : vector<16xf32> to vector<1xf32>
        %squeeze3A_368 = vector.extract %slice3A_367[0] : f32 from vector<1xf32>
        %slice3A_369 = vector.extract_strided_slice %get3A_177 {offsets = [6], sizes = [1], strides = [1]} : vector<16xf32> to vector<1xf32>
        %squeeze3A_370 = vector.extract %slice3A_369[0] : f32 from vector<1xf32>
        %slice3A_371 = vector.extract_strided_slice %get3A_184 {offsets = [6], sizes = [1], strides = [1]} : vector<16xf32> to vector<1xf32>
        %squeeze3A_372 = vector.extract %slice3A_371[0] : f32 from vector<1xf32>
        %slice3A_373 = vector.extract_strided_slice %get3A_189 {offsets = [6], sizes = [1], strides = [1]} : vector<16xf32> to vector<1xf32>
        %squeeze3A_374 = vector.extract %slice3A_373[0] : f32 from vector<1xf32>
        %mul3A_375 = vector.broadcast %squeeze3A_368 : f32 to vector<16xf32>
        %mul3A_376 = arith.mulf %get3A_96, %mul3A_375 : vector<16xf32>
        %mul3A_377 = vector.broadcast %squeeze3A_370 : f32 to vector<16xf32>
        %mul3A_378 = arith.mulf %get3A_101, %mul3A_377 : vector<16xf32>
        %add3A_379 = arith.addf %mul3A_376, %mul3A_378 : vector<16xf32>
        %mul3A_380 = vector.broadcast %squeeze3A_372 : f32 to vector<16xf32>
        %mul3A_381 = arith.mulf %get3A_106, %mul3A_380 : vector<16xf32>
        %add3A_382 = arith.addf %add3A_379, %mul3A_381 : vector<16xf32>
        %add3A_383 = vector.broadcast %squeeze3A_374 : f32 to vector<16xf32>
        %add3A_384 = arith.addf %add3A_383, %add3A_382 : vector<16xf32>
        %mul3A_385 = vector.broadcast %squeeze3A_368 : f32 to vector<16xf32>
        %mul3A_386 = arith.mulf %get3A_111, %mul3A_385 : vector<16xf32>
        %mul3A_387 = vector.broadcast %squeeze3A_370 : f32 to vector<16xf32>
        %mul3A_388 = arith.mulf %get3A_116, %mul3A_387 : vector<16xf32>
        %add3A_389 = arith.addf %mul3A_386, %mul3A_388 : vector<16xf32>
        %mul3A_390 = vector.broadcast %squeeze3A_372 : f32 to vector<16xf32>
        %mul3A_391 = arith.mulf %get3A_121, %mul3A_390 : vector<16xf32>
        %add3A_392 = arith.addf %add3A_389, %mul3A_391 : vector<16xf32>
        %add3A_393 = vector.broadcast %squeeze3A_374 : f32 to vector<16xf32>
        %add3A_394 = arith.addf %add3A_393, %add3A_392 : vector<16xf32>
        %min3A_395 = arith.minimumf %min3A_365, %add3A_384 : vector<16xf32>
        %min3A_396 = arith.minimumf %min3A_366, %add3A_394 : vector<16xf32>
        %slice3A_397 = vector.extract_strided_slice %get3A_170 {offsets = [7], sizes = [1], strides = [1]} : vector<16xf32> to vector<1xf32>
        %squeeze3A_398 = vector.extract %slice3A_397[0] : f32 from vector<1xf32>
        %slice3A_399 = vector.extract_strided_slice %get3A_177 {offsets = [7], sizes = [1], strides = [1]} : vector<16xf32> to vector<1xf32>
        %squeeze3A_400 = vector.extract %slice3A_399[0] : f32 from vector<1xf32>
        %slice3A_401 = vector.extract_strided_slice %get3A_184 {offsets = [7], sizes = [1], strides = [1]} : vector<16xf32> to vector<1xf32>
        %squeeze3A_402 = vector.extract %slice3A_401[0] : f32 from vector<1xf32>
        %slice3A_403 = vector.extract_strided_slice %get3A_189 {offsets = [7], sizes = [1], strides = [1]} : vector<16xf32> to vector<1xf32>
        %squeeze3A_404 = vector.extract %slice3A_403[0] : f32 from vector<1xf32>
        %mul3A_405 = vector.broadcast %squeeze3A_398 : f32 to vector<16xf32>
        %mul3A_406 = arith.mulf %get3A_96, %mul3A_405 : vector<16xf32>
        %mul3A_407 = vector.broadcast %squeeze3A_400 : f32 to vector<16xf32>
        %mul3A_408 = arith.mulf %get3A_101, %mul3A_407 : vector<16xf32>
        %add3A_409 = arith.addf %mul3A_406, %mul3A_408 : vector<16xf32>
        %mul3A_410 = vector.broadcast %squeeze3A_402 : f32 to vector<16xf32>
        %mul3A_411 = arith.mulf %get3A_106, %mul3A_410 : vector<16xf32>
        %add3A_412 = arith.addf %add3A_409, %mul3A_411 : vector<16xf32>
        %add3A_413 = vector.broadcast %squeeze3A_404 : f32 to vector<16xf32>
        %add3A_414 = arith.addf %add3A_413, %add3A_412 : vector<16xf32>
        %mul3A_415 = vector.broadcast %squeeze3A_398 : f32 to vector<16xf32>
        %mul3A_416 = arith.mulf %get3A_111, %mul3A_415 : vector<16xf32>
        %mul3A_417 = vector.broadcast %squeeze3A_400 : f32 to vector<16xf32>
        %mul3A_418 = arith.mulf %get3A_116, %mul3A_417 : vector<16xf32>
        %add3A_419 = arith.addf %mul3A_416, %mul3A_418 : vector<16xf32>
        %mul3A_420 = vector.broadcast %squeeze3A_402 : f32 to vector<16xf32>
        %mul3A_421 = arith.mulf %get3A_121, %mul3A_420 : vector<16xf32>
        %add3A_422 = arith.addf %add3A_419, %mul3A_421 : vector<16xf32>
        %add3A_423 = vector.broadcast %squeeze3A_404 : f32 to vector<16xf32>
        %add3A_424 = arith.addf %add3A_423, %add3A_422 : vector<16xf32>
        %min3A_425 = arith.minimumf %min3A_395, %add3A_414 : vector<16xf32>
        %min3A_426 = arith.minimumf %min3A_396, %add3A_424 : vector<16xf32>
        %slice3A_427 = vector.extract_strided_slice %get3A_170 {offsets = [8], sizes = [1], strides = [1]} : vector<16xf32> to vector<1xf32>
        %squeeze3A_428 = vector.extract %slice3A_427[0] : f32 from vector<1xf32>
        %slice3A_429 = vector.extract_strided_slice %get3A_177 {offsets = [8], sizes = [1], strides = [1]} : vector<16xf32> to vector<1xf32>
        %squeeze3A_430 = vector.extract %slice3A_429[0] : f32 from vector<1xf32>
        %slice3A_431 = vector.extract_strided_slice %get3A_184 {offsets = [8], sizes = [1], strides = [1]} : vector<16xf32> to vector<1xf32>
        %squeeze3A_432 = vector.extract %slice3A_431[0] : f32 from vector<1xf32>
        %slice3A_433 = vector.extract_strided_slice %get3A_189 {offsets = [8], sizes = [1], strides = [1]} : vector<16xf32> to vector<1xf32>
        %squeeze3A_434 = vector.extract %slice3A_433[0] : f32 from vector<1xf32>
        %mul3A_435 = vector.broadcast %squeeze3A_428 : f32 to vector<16xf32>
        %mul3A_436 = arith.mulf %get3A_96, %mul3A_435 : vector<16xf32>
        %mul3A_437 = vector.broadcast %squeeze3A_430 : f32 to vector<16xf32>
        %mul3A_438 = arith.mulf %get3A_101, %mul3A_437 : vector<16xf32>
        %add3A_439 = arith.addf %mul3A_436, %mul3A_438 : vector<16xf32>
        %mul3A_440 = vector.broadcast %squeeze3A_432 : f32 to vector<16xf32>
        %mul3A_441 = arith.mulf %get3A_106, %mul3A_440 : vector<16xf32>
        %add3A_442 = arith.addf %add3A_439, %mul3A_441 : vector<16xf32>
        %add3A_443 = vector.broadcast %squeeze3A_434 : f32 to vector<16xf32>
        %add3A_444 = arith.addf %add3A_443, %add3A_442 : vector<16xf32>
        %mul3A_445 = vector.broadcast %squeeze3A_428 : f32 to vector<16xf32>
        %mul3A_446 = arith.mulf %get3A_111, %mul3A_445 : vector<16xf32>
        %mul3A_447 = vector.broadcast %squeeze3A_430 : f32 to vector<16xf32>
        %mul3A_448 = arith.mulf %get3A_116, %mul3A_447 : vector<16xf32>
        %add3A_449 = arith.addf %mul3A_446, %mul3A_448 : vector<16xf32>
        %mul3A_450 = vector.broadcast %squeeze3A_432 : f32 to vector<16xf32>
        %mul3A_451 = arith.mulf %get3A_121, %mul3A_450 : vector<16xf32>
        %add3A_452 = arith.addf %add3A_449, %mul3A_451 : vector<16xf32>
        %add3A_453 = vector.broadcast %squeeze3A_434 : f32 to vector<16xf32>
        %add3A_454 = arith.addf %add3A_453, %add3A_452 : vector<16xf32>
        %min3A_455 = arith.minimumf %min3A_425, %add3A_444 : vector<16xf32>
        %min3A_456 = arith.minimumf %min3A_426, %add3A_454 : vector<16xf32>
        %slice3A_457 = vector.extract_strided_slice %get3A_170 {offsets = [9], sizes = [1], strides = [1]} : vector<16xf32> to vector<1xf32>
        %squeeze3A_458 = vector.extract %slice3A_457[0] : f32 from vector<1xf32>
        %slice3A_459 = vector.extract_strided_slice %get3A_177 {offsets = [9], sizes = [1], strides = [1]} : vector<16xf32> to vector<1xf32>
        %squeeze3A_460 = vector.extract %slice3A_459[0] : f32 from vector<1xf32>
        %slice3A_461 = vector.extract_strided_slice %get3A_184 {offsets = [9], sizes = [1], strides = [1]} : vector<16xf32> to vector<1xf32>
        %squeeze3A_462 = vector.extract %slice3A_461[0] : f32 from vector<1xf32>
        %slice3A_463 = vector.extract_strided_slice %get3A_189 {offsets = [9], sizes = [1], strides = [1]} : vector<16xf32> to vector<1xf32>
        %squeeze3A_464 = vector.extract %slice3A_463[0] : f32 from vector<1xf32>
        %mul3A_465 = vector.broadcast %squeeze3A_458 : f32 to vector<16xf32>
        %mul3A_466 = arith.mulf %get3A_96, %mul3A_465 : vector<16xf32>
        %mul3A_467 = vector.broadcast %squeeze3A_460 : f32 to vector<16xf32>
        %mul3A_468 = arith.mulf %get3A_101, %mul3A_467 : vector<16xf32>
        %add3A_469 = arith.addf %mul3A_466, %mul3A_468 : vector<16xf32>
        %mul3A_470 = vector.broadcast %squeeze3A_462 : f32 to vector<16xf32>
        %mul3A_471 = arith.mulf %get3A_106, %mul3A_470 : vector<16xf32>
        %add3A_472 = arith.addf %add3A_469, %mul3A_471 : vector<16xf32>
        %add3A_473 = vector.broadcast %squeeze3A_464 : f32 to vector<16xf32>
        %add3A_474 = arith.addf %add3A_473, %add3A_472 : vector<16xf32>
        %mul3A_475 = vector.broadcast %squeeze3A_458 : f32 to vector<16xf32>
        %mul3A_476 = arith.mulf %get3A_111, %mul3A_475 : vector<16xf32>
        %mul3A_477 = vector.broadcast %squeeze3A_460 : f32 to vector<16xf32>
        %mul3A_478 = arith.mulf %get3A_116, %mul3A_477 : vector<16xf32>
        %add3A_479 = arith.addf %mul3A_476, %mul3A_478 : vector<16xf32>
        %mul3A_480 = vector.broadcast %squeeze3A_462 : f32 to vector<16xf32>
        %mul3A_481 = arith.mulf %get3A_121, %mul3A_480 : vector<16xf32>
        %add3A_482 = arith.addf %add3A_479, %mul3A_481 : vector<16xf32>
        %add3A_483 = vector.broadcast %squeeze3A_464 : f32 to vector<16xf32>
        %add3A_484 = arith.addf %add3A_483, %add3A_482 : vector<16xf32>
        %min3A_485 = arith.minimumf %min3A_455, %add3A_474 : vector<16xf32>
        %min3A_486 = arith.minimumf %min3A_456, %add3A_484 : vector<16xf32>
        %slice3A_487 = vector.extract_strided_slice %get3A_170 {offsets = [10], sizes = [1], strides = [1]} : vector<16xf32> to vector<1xf32>
        %squeeze3A_488 = vector.extract %slice3A_487[0] : f32 from vector<1xf32>
        %slice3A_489 = vector.extract_strided_slice %get3A_177 {offsets = [10], sizes = [1], strides = [1]} : vector<16xf32> to vector<1xf32>
        %squeeze3A_490 = vector.extract %slice3A_489[0] : f32 from vector<1xf32>
        %slice3A_491 = vector.extract_strided_slice %get3A_184 {offsets = [10], sizes = [1], strides = [1]} : vector<16xf32> to vector<1xf32>
        %squeeze3A_492 = vector.extract %slice3A_491[0] : f32 from vector<1xf32>
        %slice3A_493 = vector.extract_strided_slice %get3A_189 {offsets = [10], sizes = [1], strides = [1]} : vector<16xf32> to vector<1xf32>
        %squeeze3A_494 = vector.extract %slice3A_493[0] : f32 from vector<1xf32>
        %mul3A_495 = vector.broadcast %squeeze3A_488 : f32 to vector<16xf32>
        %mul3A_496 = arith.mulf %get3A_96, %mul3A_495 : vector<16xf32>
        %mul3A_497 = vector.broadcast %squeeze3A_490 : f32 to vector<16xf32>
        %mul3A_498 = arith.mulf %get3A_101, %mul3A_497 : vector<16xf32>
        %add3A_499 = arith.addf %mul3A_496, %mul3A_498 : vector<16xf32>
        %mul3A_500 = vector.broadcast %squeeze3A_492 : f32 to vector<16xf32>
        %mul3A_501 = arith.mulf %get3A_106, %mul3A_500 : vector<16xf32>
        %add3A_502 = arith.addf %add3A_499, %mul3A_501 : vector<16xf32>
        %add3A_503 = vector.broadcast %squeeze3A_494 : f32 to vector<16xf32>
        %add3A_504 = arith.addf %add3A_503, %add3A_502 : vector<16xf32>
        %mul3A_505 = vector.broadcast %squeeze3A_488 : f32 to vector<16xf32>
        %mul3A_506 = arith.mulf %get3A_111, %mul3A_505 : vector<16xf32>
        %mul3A_507 = vector.broadcast %squeeze3A_490 : f32 to vector<16xf32>
        %mul3A_508 = arith.mulf %get3A_116, %mul3A_507 : vector<16xf32>
        %add3A_509 = arith.addf %mul3A_506, %mul3A_508 : vector<16xf32>
        %mul3A_510 = vector.broadcast %squeeze3A_492 : f32 to vector<16xf32>
        %mul3A_511 = arith.mulf %get3A_121, %mul3A_510 : vector<16xf32>
        %add3A_512 = arith.addf %add3A_509, %mul3A_511 : vector<16xf32>
        %add3A_513 = vector.broadcast %squeeze3A_494 : f32 to vector<16xf32>
        %add3A_514 = arith.addf %add3A_513, %add3A_512 : vector<16xf32>
        %min3A_515 = arith.minimumf %min3A_485, %add3A_504 : vector<16xf32>
        %min3A_516 = arith.minimumf %min3A_486, %add3A_514 : vector<16xf32>
        %slice3A_517 = vector.extract_strided_slice %get3A_170 {offsets = [11], sizes = [1], strides = [1]} : vector<16xf32> to vector<1xf32>
        %squeeze3A_518 = vector.extract %slice3A_517[0] : f32 from vector<1xf32>
        %slice3A_519 = vector.extract_strided_slice %get3A_177 {offsets = [11], sizes = [1], strides = [1]} : vector<16xf32> to vector<1xf32>
        %squeeze3A_520 = vector.extract %slice3A_519[0] : f32 from vector<1xf32>
        %slice3A_521 = vector.extract_strided_slice %get3A_184 {offsets = [11], sizes = [1], strides = [1]} : vector<16xf32> to vector<1xf32>
        %squeeze3A_522 = vector.extract %slice3A_521[0] : f32 from vector<1xf32>
        %slice3A_523 = vector.extract_strided_slice %get3A_189 {offsets = [11], sizes = [1], strides = [1]} : vector<16xf32> to vector<1xf32>
        %squeeze3A_524 = vector.extract %slice3A_523[0] : f32 from vector<1xf32>
        %mul3A_525 = vector.broadcast %squeeze3A_518 : f32 to vector<16xf32>
        %mul3A_526 = arith.mulf %get3A_96, %mul3A_525 : vector<16xf32>
        %mul3A_527 = vector.broadcast %squeeze3A_520 : f32 to vector<16xf32>
        %mul3A_528 = arith.mulf %get3A_101, %mul3A_527 : vector<16xf32>
        %add3A_529 = arith.addf %mul3A_526, %mul3A_528 : vector<16xf32>
        %mul3A_530 = vector.broadcast %squeeze3A_522 : f32 to vector<16xf32>
        %mul3A_531 = arith.mulf %get3A_106, %mul3A_530 : vector<16xf32>
        %add3A_532 = arith.addf %add3A_529, %mul3A_531 : vector<16xf32>
        %add3A_533 = vector.broadcast %squeeze3A_524 : f32 to vector<16xf32>
        %add3A_534 = arith.addf %add3A_533, %add3A_532 : vector<16xf32>
        %mul3A_535 = vector.broadcast %squeeze3A_518 : f32 to vector<16xf32>
        %mul3A_536 = arith.mulf %get3A_111, %mul3A_535 : vector<16xf32>
        %mul3A_537 = vector.broadcast %squeeze3A_520 : f32 to vector<16xf32>
        %mul3A_538 = arith.mulf %get3A_116, %mul3A_537 : vector<16xf32>
        %add3A_539 = arith.addf %mul3A_536, %mul3A_538 : vector<16xf32>
        %mul3A_540 = vector.broadcast %squeeze3A_522 : f32 to vector<16xf32>
        %mul3A_541 = arith.mulf %get3A_121, %mul3A_540 : vector<16xf32>
        %add3A_542 = arith.addf %add3A_539, %mul3A_541 : vector<16xf32>
        %add3A_543 = vector.broadcast %squeeze3A_524 : f32 to vector<16xf32>
        %add3A_544 = arith.addf %add3A_543, %add3A_542 : vector<16xf32>
        %min3A_545 = arith.minimumf %min3A_515, %add3A_534 : vector<16xf32>
        %min3A_546 = arith.minimumf %min3A_516, %add3A_544 : vector<16xf32>
        %slice3A_547 = vector.extract_strided_slice %get3A_170 {offsets = [12], sizes = [1], strides = [1]} : vector<16xf32> to vector<1xf32>
        %squeeze3A_548 = vector.extract %slice3A_547[0] : f32 from vector<1xf32>
        %slice3A_549 = vector.extract_strided_slice %get3A_177 {offsets = [12], sizes = [1], strides = [1]} : vector<16xf32> to vector<1xf32>
        %squeeze3A_550 = vector.extract %slice3A_549[0] : f32 from vector<1xf32>
        %slice3A_551 = vector.extract_strided_slice %get3A_184 {offsets = [12], sizes = [1], strides = [1]} : vector<16xf32> to vector<1xf32>
        %squeeze3A_552 = vector.extract %slice3A_551[0] : f32 from vector<1xf32>
        %slice3A_553 = vector.extract_strided_slice %get3A_189 {offsets = [12], sizes = [1], strides = [1]} : vector<16xf32> to vector<1xf32>
        %squeeze3A_554 = vector.extract %slice3A_553[0] : f32 from vector<1xf32>
        %mul3A_555 = vector.broadcast %squeeze3A_548 : f32 to vector<16xf32>
        %mul3A_556 = arith.mulf %get3A_96, %mul3A_555 : vector<16xf32>
        %mul3A_557 = vector.broadcast %squeeze3A_550 : f32 to vector<16xf32>
        %mul3A_558 = arith.mulf %get3A_101, %mul3A_557 : vector<16xf32>
        %add3A_559 = arith.addf %mul3A_556, %mul3A_558 : vector<16xf32>
        %mul3A_560 = vector.broadcast %squeeze3A_552 : f32 to vector<16xf32>
        %mul3A_561 = arith.mulf %get3A_106, %mul3A_560 : vector<16xf32>
        %add3A_562 = arith.addf %add3A_559, %mul3A_561 : vector<16xf32>
        %add3A_563 = vector.broadcast %squeeze3A_554 : f32 to vector<16xf32>
        %add3A_564 = arith.addf %add3A_563, %add3A_562 : vector<16xf32>
        %mul3A_565 = vector.broadcast %squeeze3A_548 : f32 to vector<16xf32>
        %mul3A_566 = arith.mulf %get3A_111, %mul3A_565 : vector<16xf32>
        %mul3A_567 = vector.broadcast %squeeze3A_550 : f32 to vector<16xf32>
        %mul3A_568 = arith.mulf %get3A_116, %mul3A_567 : vector<16xf32>
        %add3A_569 = arith.addf %mul3A_566, %mul3A_568 : vector<16xf32>
        %mul3A_570 = vector.broadcast %squeeze3A_552 : f32 to vector<16xf32>
        %mul3A_571 = arith.mulf %get3A_121, %mul3A_570 : vector<16xf32>
        %add3A_572 = arith.addf %add3A_569, %mul3A_571 : vector<16xf32>
        %add3A_573 = vector.broadcast %squeeze3A_554 : f32 to vector<16xf32>
        %add3A_574 = arith.addf %add3A_573, %add3A_572 : vector<16xf32>
        %min3A_575 = arith.minimumf %min3A_545, %add3A_564 : vector<16xf32>
        %min3A_576 = arith.minimumf %min3A_546, %add3A_574 : vector<16xf32>
        %slice3A_577 = vector.extract_strided_slice %get3A_170 {offsets = [13], sizes = [1], strides = [1]} : vector<16xf32> to vector<1xf32>
        %squeeze3A_578 = vector.extract %slice3A_577[0] : f32 from vector<1xf32>
        %slice3A_579 = vector.extract_strided_slice %get3A_177 {offsets = [13], sizes = [1], strides = [1]} : vector<16xf32> to vector<1xf32>
        %squeeze3A_580 = vector.extract %slice3A_579[0] : f32 from vector<1xf32>
        %slice3A_581 = vector.extract_strided_slice %get3A_184 {offsets = [13], sizes = [1], strides = [1]} : vector<16xf32> to vector<1xf32>
        %squeeze3A_582 = vector.extract %slice3A_581[0] : f32 from vector<1xf32>
        %slice3A_583 = vector.extract_strided_slice %get3A_189 {offsets = [13], sizes = [1], strides = [1]} : vector<16xf32> to vector<1xf32>
        %squeeze3A_584 = vector.extract %slice3A_583[0] : f32 from vector<1xf32>
        %mul3A_585 = vector.broadcast %squeeze3A_578 : f32 to vector<16xf32>
        %mul3A_586 = arith.mulf %get3A_96, %mul3A_585 : vector<16xf32>
        %mul3A_587 = vector.broadcast %squeeze3A_580 : f32 to vector<16xf32>
        %mul3A_588 = arith.mulf %get3A_101, %mul3A_587 : vector<16xf32>
        %add3A_589 = arith.addf %mul3A_586, %mul3A_588 : vector<16xf32>
        %mul3A_590 = vector.broadcast %squeeze3A_582 : f32 to vector<16xf32>
        %mul3A_591 = arith.mulf %get3A_106, %mul3A_590 : vector<16xf32>
        %add3A_592 = arith.addf %add3A_589, %mul3A_591 : vector<16xf32>
        %add3A_593 = vector.broadcast %squeeze3A_584 : f32 to vector<16xf32>
        %add3A_594 = arith.addf %add3A_593, %add3A_592 : vector<16xf32>
        %mul3A_595 = vector.broadcast %squeeze3A_578 : f32 to vector<16xf32>
        %mul3A_596 = arith.mulf %get3A_111, %mul3A_595 : vector<16xf32>
        %mul3A_597 = vector.broadcast %squeeze3A_580 : f32 to vector<16xf32>
        %mul3A_598 = arith.mulf %get3A_116, %mul3A_597 : vector<16xf32>
        %add3A_599 = arith.addf %mul3A_596, %mul3A_598 : vector<16xf32>
        %mul3A_600 = vector.broadcast %squeeze3A_582 : f32 to vector<16xf32>
        %mul3A_601 = arith.mulf %get3A_121, %mul3A_600 : vector<16xf32>
        %add3A_602 = arith.addf %add3A_599, %mul3A_601 : vector<16xf32>
        %add3A_603 = vector.broadcast %squeeze3A_584 : f32 to vector<16xf32>
        %add3A_604 = arith.addf %add3A_603, %add3A_602 : vector<16xf32>
        %min3A_605 = arith.minimumf %min3A_575, %add3A_594 : vector<16xf32>
        %min3A_606 = arith.minimumf %min3A_576, %add3A_604 : vector<16xf32>
        %slice3A_607 = vector.extract_strided_slice %get3A_170 {offsets = [14], sizes = [1], strides = [1]} : vector<16xf32> to vector<1xf32>
        %squeeze3A_608 = vector.extract %slice3A_607[0] : f32 from vector<1xf32>
        %slice3A_609 = vector.extract_strided_slice %get3A_177 {offsets = [14], sizes = [1], strides = [1]} : vector<16xf32> to vector<1xf32>
        %squeeze3A_610 = vector.extract %slice3A_609[0] : f32 from vector<1xf32>
        %slice3A_611 = vector.extract_strided_slice %get3A_184 {offsets = [14], sizes = [1], strides = [1]} : vector<16xf32> to vector<1xf32>
        %squeeze3A_612 = vector.extract %slice3A_611[0] : f32 from vector<1xf32>
        %slice3A_613 = vector.extract_strided_slice %get3A_189 {offsets = [14], sizes = [1], strides = [1]} : vector<16xf32> to vector<1xf32>
        %squeeze3A_614 = vector.extract %slice3A_613[0] : f32 from vector<1xf32>
        %mul3A_615 = vector.broadcast %squeeze3A_608 : f32 to vector<16xf32>
        %mul3A_616 = arith.mulf %get3A_96, %mul3A_615 : vector<16xf32>
        %mul3A_617 = vector.broadcast %squeeze3A_610 : f32 to vector<16xf32>
        %mul3A_618 = arith.mulf %get3A_101, %mul3A_617 : vector<16xf32>
        %add3A_619 = arith.addf %mul3A_616, %mul3A_618 : vector<16xf32>
        %mul3A_620 = vector.broadcast %squeeze3A_612 : f32 to vector<16xf32>
        %mul3A_621 = arith.mulf %get3A_106, %mul3A_620 : vector<16xf32>
        %add3A_622 = arith.addf %add3A_619, %mul3A_621 : vector<16xf32>
        %add3A_623 = vector.broadcast %squeeze3A_614 : f32 to vector<16xf32>
        %add3A_624 = arith.addf %add3A_623, %add3A_622 : vector<16xf32>
        %mul3A_625 = vector.broadcast %squeeze3A_608 : f32 to vector<16xf32>
        %mul3A_626 = arith.mulf %get3A_111, %mul3A_625 : vector<16xf32>
        %mul3A_627 = vector.broadcast %squeeze3A_610 : f32 to vector<16xf32>
        %mul3A_628 = arith.mulf %get3A_116, %mul3A_627 : vector<16xf32>
        %add3A_629 = arith.addf %mul3A_626, %mul3A_628 : vector<16xf32>
        %mul3A_630 = vector.broadcast %squeeze3A_612 : f32 to vector<16xf32>
        %mul3A_631 = arith.mulf %get3A_121, %mul3A_630 : vector<16xf32>
        %add3A_632 = arith.addf %add3A_629, %mul3A_631 : vector<16xf32>
        %add3A_633 = vector.broadcast %squeeze3A_614 : f32 to vector<16xf32>
        %add3A_634 = arith.addf %add3A_633, %add3A_632 : vector<16xf32>
        %min3A_635 = arith.minimumf %min3A_605, %add3A_624 : vector<16xf32>
        %min3A_636 = arith.minimumf %min3A_606, %add3A_634 : vector<16xf32>
        %slice3A_637 = vector.extract_strided_slice %get3A_170 {offsets = [15], sizes = [1], strides = [1]} : vector<16xf32> to vector<1xf32>
        %squeeze3A_638 = vector.extract %slice3A_637[0] : f32 from vector<1xf32>
        %slice3A_639 = vector.extract_strided_slice %get3A_177 {offsets = [15], sizes = [1], strides = [1]} : vector<16xf32> to vector<1xf32>
        %squeeze3A_640 = vector.extract %slice3A_639[0] : f32 from vector<1xf32>
        %slice3A_641 = vector.extract_strided_slice %get3A_184 {offsets = [15], sizes = [1], strides = [1]} : vector<16xf32> to vector<1xf32>
        %squeeze3A_642 = vector.extract %slice3A_641[0] : f32 from vector<1xf32>
        %slice3A_643 = vector.extract_strided_slice %get3A_189 {offsets = [15], sizes = [1], strides = [1]} : vector<16xf32> to vector<1xf32>
        %squeeze3A_644 = vector.extract %slice3A_643[0] : f32 from vector<1xf32>
        %mul3A_645 = vector.broadcast %squeeze3A_638 : f32 to vector<16xf32>
        %mul3A_646 = arith.mulf %get3A_96, %mul3A_645 : vector<16xf32>
        %mul3A_647 = vector.broadcast %squeeze3A_640 : f32 to vector<16xf32>
        %mul3A_648 = arith.mulf %get3A_101, %mul3A_647 : vector<16xf32>
        %add3A_649 = arith.addf %mul3A_646, %mul3A_648 : vector<16xf32>
        %mul3A_650 = vector.broadcast %squeeze3A_642 : f32 to vector<16xf32>
        %mul3A_651 = arith.mulf %get3A_106, %mul3A_650 : vector<16xf32>
        %add3A_652 = arith.addf %add3A_649, %mul3A_651 : vector<16xf32>
        %add3A_653 = vector.broadcast %squeeze3A_644 : f32 to vector<16xf32>
        %add3A_654 = arith.addf %add3A_653, %add3A_652 : vector<16xf32>
        %mul3A_655 = vector.broadcast %squeeze3A_638 : f32 to vector<16xf32>
        %mul3A_656 = arith.mulf %get3A_111, %mul3A_655 : vector<16xf32>
        %mul3A_657 = vector.broadcast %squeeze3A_640 : f32 to vector<16xf32>
        %mul3A_658 = arith.mulf %get3A_116, %mul3A_657 : vector<16xf32>
        %add3A_659 = arith.addf %mul3A_656, %mul3A_658 : vector<16xf32>
        %mul3A_660 = vector.broadcast %squeeze3A_642 : f32 to vector<16xf32>
        %mul3A_661 = arith.mulf %get3A_121, %mul3A_660 : vector<16xf32>
        %add3A_662 = arith.addf %add3A_659, %mul3A_661 : vector<16xf32>
        %add3A_663 = vector.broadcast %squeeze3A_644 : f32 to vector<16xf32>
        %add3A_664 = arith.addf %add3A_663, %add3A_662 : vector<16xf32>
        %min3A_665 = arith.minimumf %min3A_635, %add3A_654 : vector<16xf32>
        %min3A_666 = arith.minimumf %min3A_636, %add3A_664 : vector<16xf32>
        scf.yield %min3A_665, %min3A_666 : vector<16xf32>, vector<16xf32>
      }
      %scan3A_131 = arith.constant 8 : i32
      %get3A_132 = arith.index_cast %add3A_89 : i32 to index
      %get3A_133 = tpu.vector_load %arg13[%get3A_132] {strides = array<i32>} : memref<4096xf32, #tpu.memory_space<vmem>>, vector<16xf32>,
      %get3A_134 = vector.shape_cast %get3A_133 : vector<16xf32> to vector<16xf32>
      %add3A_135 = arith.addf %scan3A_130#0, %get3A_134 : vector<16xf32>
      %mul3A_136 = arith.constant 2 : i32
      %mul3A_137 = arith.muli %scan3A_85, %mul3A_136 : i32
      %mul3A_138 = arith.constant 16 : i32
      %mul3A_139 = arith.muli %mul3A_137, %mul3A_138 : i32
      %swap3A_140 = arith.index_cast %mul3A_139 : i32 to index
      %swap3A_141 = tpu.vector_load %arg15[%swap3A_140] {strides = array<i32>} : memref<512xf32, #tpu.memory_space<vmem>>, vector<16xf32>,
      %swap3A_142 = vector.shape_cast %swap3A_141 : vector<16xf32> to vector<16xf32>
      %swap3A_143 = vector.shape_cast %add3A_135 : vector<16xf32> to vector<16xf32>
      tpu.vector_store %arg15[%swap3A_140], %swap3A_143 {strides = array<i32>} : memref<512xf32, #tpu.memory_space<vmem>>, vector<16xf32>,
      %add3A_144 = arith.constant 16 : i32
      %add3A_145 = arith.addi %add3A_89, %add3A_144 : i32
      %get3A_146 = arith.index_cast %add3A_145 : i32 to index
      %get3A_147 = tpu.vector_load %arg13[%get3A_146] {strides = array<i32>} : memref<4096xf32, #tpu.memory_space<vmem>>, vector<16xf32>,
      %get3A_148 = vector.shape_cast %get3A_147 : vector<16xf32> to vector<16xf32>
      %add3A_149 = arith.addf %scan3A_130#1, %get3A_148 : vector<16xf32>
      %mul3A_150 = arith.constant 2 : i32
      %mul3A_151 = arith.muli %scan3A_85, %mul3A_150 : i32
      %mul3A_152 = arith.constant 16 : i32
      %mul3A_153 = arith.muli %mul3A_151, %mul3A_152 : i32
      %add3A_154 = arith.constant 16 : i32
      %add3A_155 = arith.addi %mul3A_153, %add3A_154 : i32
      %swap3A_156 = arith.index_cast %add3A_155 : i32 to index
      %swap3A_157 = tpu.vector_load %arg15[%swap3A_156] {strides = array<i32>} : memref<512xf32, #tpu.memory_space<vmem>>, vector<16xf32>,
      %swap3A_158 = vector.shape_cast %swap3A_157 : vector<16xf32> to vector<16xf32>
      %swap3A_159 = vector.shape_cast %add3A_149 : vector<16xf32> to vector<16xf32>
      tpu.vector_store %arg15[%swap3A_156], %swap3A_159 {strides = array<i32>} : memref<512xf32, #tpu.memory_space<vmem>>, vector<16xf32>,
      %scan3A_160 = arith.constant 0 : i32
      scf.yield %scan3A_160 : i32
    }
    %scan3A_84 = arith.constant 16 : i32
    "tpu.region"() ({
      %run_scoped3A = tpu.sem_alloc : memref<!tpu.dma_semaphore, #tpu.memory_space<semaphore_mem>>
      %dma_start3A = arith.constant 0 : i32
      %dma_start3A_85 = tpu.memref_slice %arg5[%add3A, %dma_start3A] : memref<32x512xf32, #tpu.memory_space<hbm>> -> memref<1x512xf32, #tpu.memory_space<hbm>>
      %dma_start3A_86 = tpu.memref_squeeze %dma_start3A_85 : memref<1x512xf32, #tpu.memory_space<hbm>> -> memref<512xf32, #tpu.memory_space<hbm>>
      %dma_start3A_87 = arith.constant 0 : i32
      %dma_start3A_88 = tpu.memref_slice %arg5[%add3A, %dma_start3A_87] : memref<32x512xf32, #tpu.memory_space<hbm>> -> memref<1x512xf32, #tpu.memory_space<hbm>>
      %dma_start3A_89 = tpu.memref_squeeze %dma_start3A_88 : memref<1x512xf32, #tpu.memory_space<hbm>> -> memref<512xf32, #tpu.memory_space<hbm>>
      tpu.enqueue_dma source(%arg15 : memref<512xf32, #tpu.memory_space<vmem>>) target(%dma_start3A_89 : memref<512xf32, #tpu.memory_space<hbm>>) target_semaphore(%run_scoped3A : memref<!tpu.dma_semaphore, #tpu.memory_space<semaphore_mem>>)
      %dma_wait3A = arith.constant 0 : i32
      %dma_wait3A_90 = tpu.memref_slice %arg5[%add3A, %dma_wait3A] : memref<32x512xf32, #tpu.memory_space<hbm>> -> memref<1x512xf32, #tpu.memory_space<hbm>>
      %dma_wait3A_91 = tpu.memref_squeeze %dma_wait3A_90 : memref<1x512xf32, #tpu.memory_space<hbm>> -> memref<512xf32, #tpu.memory_space<hbm>>
      %dma_wait3A_92 = arith.constant 0 : i32
      %dma_wait3A_93 = tpu.memref_slice %arg5[%add3A, %dma_wait3A_92] : memref<32x512xf32, #tpu.memory_space<hbm>> -> memref<1x512xf32, #tpu.memory_space<hbm>>
      %dma_wait3A_94 = tpu.memref_squeeze %dma_wait3A_93 : memref<1x512xf32, #tpu.memory_space<hbm>> -> memref<512xf32, #tpu.memory_space<hbm>>
      tpu.wait_dma2 semaphore(%run_scoped3A : memref<!tpu.dma_semaphore, #tpu.memory_space<semaphore_mem>>) src(%arg15 : memref<512xf32, #tpu.memory_space<vmem>>) dst(%dma_wait3A_94 : memref<512xf32, #tpu.memory_space<hbm>>)
      tpu.yield
    }) : () -> ()
    return
  }
}

module attributes {stable_mosaic.version = 14 : i64} {
  func.func @_tc_body(%arg0: i32, %arg1: memref<1x3968x3xf32, #tpu.memory_space<vmem>>, %arg2: memref<1x3x4096xf32, #tpu.memory_space<vmem>>, %arg3: memref<1x1xf32, #tpu.memory_space<vmem>>, %arg4: memref<1x1x4096xf32, #tpu.memory_space<vmem>>) attributes {dimension_semantics = [#tpu.dimension_semantics<arbitrary>], iteration_bounds = array<i64: 4>, scalar_prefetch = 0 : i64, scratch_operands = 0 : i64, tpu.core_type = #tpu.core_type<tc>, window_params = [{transform_indices = @transform_0, window_bounds = array<i64: 1, 3968, 3>}, {transform_indices = @transform_1, window_bounds = array<i64: 1, 3, 4096>}, {pipeline_mode = #tpu.pipeline_mode<synchronous>, transform_indices = @transform_2, window_bounds = array<i64: 1, 1>}, {transform_indices = @transform_3, window_bounds = array<i64: 1, 1, 4096>}]} {
    %get3A = arith.constant 0 : index
    %get3A_0 = arith.constant 0 : index
    %get3A_1 = arith.constant 0 : index
    %get3A_2 = vector.load %arg1[%get3A, %get3A_0, %get3A_1] : memref<1x3968x3xf32, #tpu.memory_space<vmem>>, vector<1x3968x3xf32>
    %get3A_3 = vector.shape_cast %get3A_2 : vector<1x3968x3xf32> to vector<3968x3xf32>
    %get3A_4 = arith.constant 0 : index
    %get3A_5 = arith.constant 0 : index
    %get3A_6 = arith.constant 0 : index
    %get3A_7 = vector.load %arg2[%get3A_4, %get3A_5, %get3A_6] : memref<1x3x4096xf32, #tpu.memory_space<vmem>>, vector<1x3x4096xf32>
    %get3A_8 = vector.shape_cast %get3A_7 : vector<1x3x4096xf32> to vector<3x4096xf32>
    %convert_element_type3A = arith.truncf %get3A_3 : vector<3968x3xf32> to vector<3968x3xbf16>
    %convert_element_type3A_9 = arith.truncf %get3A_8 : vector<3x4096xf32> to vector<3x4096xbf16>
    %mul3A = arith.constant -2.000000e+00 : bf16
    %mul3A_10 = vector.broadcast %mul3A : bf16 to vector<3x4096xbf16>
    %mul3A_11 = arith.mulf %convert_element_type3A_9, %mul3A_10 : vector<3x4096xbf16>
    %mul3A_12 = arith.mulf %get3A_3, %get3A_3 : vector<3968x3xf32>
    %reduce_sum3A = arith.constant dense<0.000000e+00> : vector<3968xf32>
    %reduce_sum3A_13 = vector.multi_reduction <add>, %mul3A_12, %reduce_sum3A [1] : vector<3968x3xf32> to vector<3968xf32>
    %broadcast_in_dim3A = vector.shape_cast %reduce_sum3A_13 : vector<3968xf32> to vector<3968x1xf32>
    %mul3A_14 = arith.mulf %get3A_8, %get3A_8 : vector<3x4096xf32>
    %reduce_sum3A_15 = arith.constant dense<0.000000e+00> : vector<4096xf32>
    %reduce_sum3A_16 = vector.multi_reduction <add>, %mul3A_14, %reduce_sum3A_15 [0] : vector<3x4096xf32> to vector<4096xf32>
    %broadcast_in_dim3A_17 = vector.shape_cast %reduce_sum3A_16 : vector<4096xf32> to vector<1x4096xf32>
    %convert_element_type3A_18 = arith.truncf %broadcast_in_dim3A : vector<3968x1xf32> to vector<3968x1xbf16>
    %convert_element_type3A_19 = arith.extf %convert_element_type3A_18 : vector<3968x1xbf16> to vector<3968x1xf32>
    %sub3A = arith.subf %broadcast_in_dim3A, %convert_element_type3A_19 : vector<3968x1xf32>
    %convert_element_type3A_20 = arith.truncf %sub3A : vector<3968x1xf32> to vector<3968x1xbf16>
    %convert_element_type3A_21 = arith.extf %convert_element_type3A_20 : vector<3968x1xbf16> to vector<3968x1xf32>
    %sub3A_22 = arith.subf %sub3A, %convert_element_type3A_21 : vector<3968x1xf32>
    %convert_element_type3A_23 = arith.truncf %sub3A_22 : vector<3968x1xf32> to vector<3968x1xbf16>
    %convert_element_type3A_24 = arith.truncf %broadcast_in_dim3A_17 : vector<1x4096xf32> to vector<1x4096xbf16>
    %convert_element_type3A_25 = arith.extf %convert_element_type3A_24 : vector<1x4096xbf16> to vector<1x4096xf32>
    %sub3A_26 = arith.subf %broadcast_in_dim3A_17, %convert_element_type3A_25 : vector<1x4096xf32>
    %convert_element_type3A_27 = arith.truncf %sub3A_26 : vector<1x4096xf32> to vector<1x4096xbf16>
    %convert_element_type3A_28 = arith.extf %convert_element_type3A_27 : vector<1x4096xbf16> to vector<1x4096xf32>
    %sub3A_29 = arith.subf %sub3A_26, %convert_element_type3A_28 : vector<1x4096xf32>
    %convert_element_type3A_30 = arith.truncf %sub3A_29 : vector<1x4096xf32> to vector<1x4096xbf16>
    %broadcast_in_dim3A_31 = arith.constant 1.000000e+00 : bf16
    %broadcast_in_dim3A_32 = vector.broadcast %broadcast_in_dim3A_31 : bf16 to vector<3968x3xbf16>
    %broadcast_in_dim3A_33 = arith.constant 1.000000e+00 : bf16
    %broadcast_in_dim3A_34 = vector.broadcast %broadcast_in_dim3A_33 : bf16 to vector<3x4096xbf16>
    %concatenate3A = tpu.concatenate %convert_element_type3A, %broadcast_in_dim3A_32, %convert_element_type3A_18, %convert_element_type3A_20, %convert_element_type3A_23 in 1 : vector<3968x3xbf16>, vector<3968x3xbf16>, vector<3968x1xbf16>, vector<3968x1xbf16>, vector<3968x1xbf16> -> vector<3968x9xbf16>
    %concatenate3A_35 = tpu.concatenate %mul3A_11, %convert_element_type3A_24, %convert_element_type3A_27, %convert_element_type3A_30, %broadcast_in_dim3A_34 in 0 : vector<3x4096xbf16>, vector<1x4096xbf16>, vector<1x4096xbf16>, vector<1x4096xbf16>, vector<3x4096xbf16> -> vector<9x4096xbf16>
    %dot_general3A = arith.constant dense<0.000000e+00> : vector<3968x4096xf32>
    %dot_general3A_36 = tpu.matmul %concatenate3A, %concatenate3A_35, %dot_general3A {dimension_numbers = #tpu.dot_dimension_numbers<[1], [0], [0], [1], [0, 0, 1, 1], [], []>, transpose_lhs_hint = false} : vector<3968x9xbf16>, vector<9x4096xbf16>, vector<3968x4096xf32> -> vector<3968x4096xf32>
    %reduce_min3A = arith.constant dense<0x7F800000> : vector<3968xf32>
    %reduce_min3A_37 = vector.multi_reduction <minimumf>, %dot_general3A_36, %reduce_min3A [1] : vector<3968x4096xf32> to vector<3968xf32>
    %max3A = arith.constant 0.000000e+00 : f32
    %max3A_38 = vector.broadcast %max3A : f32 to vector<3968xf32>
    %max3A_39 = arith.maximumf %reduce_min3A_37, %max3A_38 : vector<3968xf32>
    %reduce_min3A_40 = arith.constant dense<0x7F800000> : vector<4096xf32>
    %reduce_min3A_41 = vector.multi_reduction <minimumf>, %dot_general3A_36, %reduce_min3A_40 [0] : vector<3968x4096xf32> to vector<4096xf32>
    %broadcast_in_dim3A_42 = vector.shape_cast %reduce_min3A_41 : vector<4096xf32> to vector<1x4096xf32>
    %swap3A = arith.constant 0 : index
    %swap3A_43 = arith.constant 0 : index
    %swap3A_44 = arith.constant 0 : index
    %swap3A_45 = vector.load %arg4[%swap3A, %swap3A_43, %swap3A_44] : memref<1x1x4096xf32, #tpu.memory_space<vmem>>, vector<1x1x4096xf32>
    %swap3A_46 = vector.shape_cast %swap3A_45 : vector<1x1x4096xf32> to vector<1x4096xf32>
    %swap3A_47 = vector.shape_cast %broadcast_in_dim3A_42 : vector<1x4096xf32> to vector<1x1x4096xf32>
    tpu.vector_store %arg4[%swap3A, %swap3A_43, %swap3A_44], %swap3A_47 {strides = array<i32>} : memref<1x1x4096xf32, #tpu.memory_space<vmem>>, vector<1x1x4096xf32>,
    %eq3A = arith.constant 0 : i32
    %eq3A_48 = arith.cmpi eq, %arg0, %eq3A : i32
    %convert_element_type3A_49 = arith.extui %eq3A_48 : i1 to i32
    %cond3A = arith.constant 0 : i32
    %cond3A_50 = arith.cmpi ne, %convert_element_type3A_49, %cond3A : i32
    scf.if %cond3A_50 {
      %broadcast_in_dim3A_63 = arith.constant 0.000000e+00 : f32
      %broadcast_in_dim3A_64 = vector.broadcast %broadcast_in_dim3A_63 : f32 to vector<1x1xf32>
      %swap3A_65 = arith.constant 0 : index
      %swap3A_66 = arith.constant 0 : index
      %swap3A_67 = vector.load %arg3[%swap3A_65, %swap3A_66] : memref<1x1xf32, #tpu.memory_space<vmem>>, vector<1x1xf32>
      tpu.vector_store %arg3[%swap3A_65, %swap3A_66], %broadcast_in_dim3A_64 {strides = array<i32>} : memref<1x1xf32, #tpu.memory_space<vmem>>, vector<1x1xf32>,
    } else {
    }
    %get3A_51 = arith.constant 0 : index
    %get3A_52 = arith.constant 0 : index
    %get3A_53 = vector.load %arg3[%get3A_51, %get3A_52] : memref<1x1xf32, #tpu.memory_space<vmem>>, vector<1x1xf32>
    %reduce_sum3A_54 = vector.shape_cast %max3A_39 : vector<3968xf32> to vector<1x3968xf32>
    %reduce_sum3A_55 = arith.constant dense<0.000000e+00> : vector<1xf32>
    %reduce_sum3A_56 = vector.multi_reduction <add>, %reduce_sum3A_54, %reduce_sum3A_55 [1] : vector<1x3968xf32> to vector<1xf32>
    %reduce_sum3A_57 = vector.shape_cast %reduce_sum3A_56 : vector<1xf32> to vector<1x1xf32>
    %reduce_sum3A_58 = vector.extract %reduce_sum3A_57[0, 0] : f32 from vector<1x1xf32>
    %add3A = vector.broadcast %reduce_sum3A_58 : f32 to vector<1x1xf32>
    %add3A_59 = arith.addf %get3A_53, %add3A : vector<1x1xf32>
    %swap3A_60 = arith.constant 0 : index
    %swap3A_61 = arith.constant 0 : index
    %swap3A_62 = vector.load %arg3[%swap3A_60, %swap3A_61] : memref<1x1xf32, #tpu.memory_space<vmem>>, vector<1x1xf32>
    tpu.vector_store %arg3[%swap3A_60, %swap3A_61], %add3A_59 {strides = array<i32>} : memref<1x1xf32, #tpu.memory_space<vmem>>, vector<1x1xf32>,
    return
  }
  func.func @transform_0(%arg0: i32) -> (i32, i32, i32) {
    %c0_i32 = arith.constant 0 : i32
    %c0_i32_0 = arith.constant 0 : i32
    %c0_i32_1 = arith.constant 0 : i32
    return %arg0, %c0_i32, %c0_i32_0 : i32, i32, i32
  }
  func.func @transform_1(%arg0: i32) -> (i32, i32, i32) {
    %c0_i32 = arith.constant 0 : i32
    %c0_i32_0 = arith.constant 0 : i32
    %c0_i32_1 = arith.constant 0 : i32
    return %arg0, %c0_i32, %c0_i32_0 : i32, i32, i32
  }
  func.func @transform_2(%arg0: i32) -> (i32, i32) {
    %c0_i32 = arith.constant 0 : i32
    %c0_i32_0 = arith.constant 0 : i32
    %c0_i32_1 = arith.constant 0 : i32
    return %c0_i32, %c0_i32_0 : i32, i32
  }
  func.func @transform_3(%arg0: i32) -> (i32, i32, i32) {
    %c0_i32 = arith.constant 0 : i32
    %c0_i32_0 = arith.constant 0 : i32
    %c0_i32_1 = arith.constant 0 : i32
    return %arg0, %c0_i32, %c0_i32_0 : i32, i32, i32
  }
}

</mosaic_0001>

<sc_bundles>
// kernel: kernel.4.cloned.1.call-start
scs
__scs_entry_jumppad:
0x0: {  	(pc) =	sbr.rel $0x88, $3  }
0x1: {  	(tag) =	ssettag $0x0;
	lr =	simm.s32 $0x1  }
0x2: {  	[smem:$0x3F9F] =	sst lr;
	_ =	strace $0xD0000000  }
0x3: {  	_ = 	snop  }
0x4: {  	_ = 	snop  }
0x5: {  	_ = 	snop  }
0x6: {  	_ = 	snop  }
0x7: {  	_ = 	snop  }
__scs_overlays_trampoline_lowered:
0x8: {  	[smem:$0x3FAE] =	sst s0  }
0x9: {  	[smem:$0x3FAF] =	sst s1  }
0xa: {  	[smem:$0x3FB0] =	sst s2  }
0xb: {  	[smem:$0x3FB1] =	sst s3  }
0xc: {  	[smem:$0x3FB2] =	sst s4  }
0xd: {  	[smem:$0x3FB3] =	sst s5  }
0xe: {  	[smem:$0x3FB4] =	sst s6  }
0xf: {  	[smem:$0x3FB5] =	sst s7  }
0x10: {  	[smem:$0x3FB6] =	sst s8  }
0x11: {  	[smem:$0x3FB7] =	sst s9;
	s0 =	simm.s32 @!p0 $0x0  }
0x12: {  	s1 =	sld [smem:$0x3F9D];
	s0 =	simm.s32 @p0 $0x1  }
0x13: {  	[smem:$0x3FB8] =	sst s0;
	s0 =	simm.s32 @!p1 $0x0  }
0x14: {  	s2 =	sld [smem:$0x3F9C];
	s0 =	simm.s32 @p1 $0x1  }
0x15: {  	[smem:$0x3FB9] =	sst s0;
	s0 =	simm.s32 @!p2 $0x0  }
0x16: {  	s3 =	sld [smem:$0x3FDB];
	s0 =	simm.s32 @p2 $0x1  }
0x17: {  	s4 =	simm.s32 $0x1BF5;
	[smem:$0x3FBB] =	sst s0  }
0x18: {  	s0 =	sld [smem:$0x3F9E];
	_ =	swait.ge [sflag:s4], $0x0  }
0x19: {  	s7 =	sld [smem:$0x3F9F]  }
0x1a: {  	s8 =	sadd.s32 $0xFFFFE003, lr  }
0x1b: {  	s9 =	sadd.s32 $0xFFFFFEF7, lr;
	s5 =	simm.s32 $0xFFFFFFFF;
	p2 =	slt.u32 s8, $0xFFFFF086  }
0x1c: {  	p1 =	slt.u32 s9, $0xF7A;
	s5 =	simm.s32 @!p2 $0x0  }
0x1d: {  	s5 =	simm.s32 @p1 $0x1;
	p0 =	seq.s32 s7, s2  }
0x1e: {  	s7 =	smul.u32 @!p0 $0xF7A, s2;
	p2 =	seq.s32 @!p0 s5, $0x0  }
0x1f: {  	s9 =	smul.u32 $0xF7A, s1;
	s8 =	simm.s32 @!p0 $0x1BF5;
	p2 =	por !p2, p0  }
0x20: {  	[sflag:s8] =	ssyncset.s32 @!p0 $0xFFFFF086;
	s6 =	sadd.s32 @!p0 s3, s7;
	s7 =	simm.s32 @!p0 $0x108  }
0x21: {  	s3 =	sadd.s32 s3, s9;
	s6 =	sadd.s32 @!p0 $0x88, s6;
	s7 =	simm.s32 @p2 $0x1082  }
0x22: {  	[simem:s7], [sflag:s8] =	dma.local @!p0 [hbm:s6], $0xF7A  }
0x23: {  	s9 =	sor.u32 $0xD0000000, s2;
	s6 =	simm.s32 $0x108;
	_ =	swait.ge @!p0 [sflag:s8], $0x0  }
0x24: {  	s3 =	sadd.s32 $0x88, s3;
	s6 =	simm.s32 @!p1 $0x1082;
	[sflag:s4] =	ssyncset.s32 $0xFFFFF086  }
0x25: {  	[simem:s6], [sflag:s4] =	dma.local [hbm:s3], $0xF7A  }
0x26: {  	[smem:$0x3F9F] =	sst s1;
	(tag) =	ssettag s2;
	_ =	strace s9  }
0x27: {  	s1 =	sld [smem:$0x3FAF]  }
0x28: {  	s2 =	sld [smem:$0x3FB0]  }
0x29: {  	s4 =	sld [smem:$0x3FB2]  }
0x2a: {  	p0 =	seq.s32 s5, $0x0;
	s5 =	sld [smem:$0x3FB3]  }
0x2b: {  	s6 =	sld [smem:$0x3FB4]  }
0x2c: {  	s7 =	sld [smem:$0x3FB5]  }
0x2d: {  	s3 =	simm.s32 $0x108;
	s8 =	sld [smem:$0x3FB6]  }
0x2e: {  	s3 =	simm.s32 @!p0 $0x1082;
	s9 =	sld [smem:$0x3FB7]  }
0x2f: {  	lr =	sadd.s32 s0, s3;
	s0 =	sld [smem:$0x3FAE]  }
0x30: {  	s3 =	sld [smem:$0x3FB1]  }
0x31: {  	[smem:$0x3FBA] =	sst s10  }
0x32: {  	s10 =	sld [smem:$0x3FB8];
	_ =	sdelay $0x3  }
0x33: {  	p0 =	seq.s32 s10, $0x1;
	s10 =	sld [smem:$0x3FBA];
	_ =	sdelay $0x3  }
0x34: {  	[smem:$0x3FBA] =	sst s10  }
0x35: {  	s10 =	sld [smem:$0x3FB9];
	_ =	sdelay $0x3  }
0x36: {  	p1 =	seq.s32 s10, $0x1;
	s10 =	sld [smem:$0x3FBA];
	_ =	sdelay $0x3  }
0x37: {  	[smem:$0x3FBA] =	sst s10  }
0x38: {  	s10 =	sld [smem:$0x3FBB]  }
0x39: {  	_ = 	snop;
	(pc) =	sbr.ind lr, $3  }
0x3a: {  	_ = 	snop  }
0x3b: {  	_ = 	snop  }
0x3c: {  	p2 =	seq.s32 s10, $0x1;
	s10 =	sld [smem:$0x3FBA]  }
0x3d: {  	_ =	shalt  }
0x3e: {  	_ =	shalt  }
0x3f: {  	_ =	shalt  }
0x40: {  	_ =	shalt  }
0x41: {  	_ =	shalt  }
0x42: {  	_ =	shalt  }
0x43: {  	_ =	shalt  }
0x44: {  	_ =	shalt  }
0x45: {  	_ =	shalt  }
0x46: {  	_ =	shalt  }
0x47: {  	_ =	shalt  }
0x48: {  	_ =	shalt  }
0x49: {  	_ =	shalt  }
0x4a: {  	_ =	shalt  }
0x4b: {  	_ =	shalt  }
0x4c: {  	_ =	shalt  }
0x4d: {  	_ =	shalt  }
0x4e: {  	_ =	shalt  }
0x4f: {  	_ =	shalt  }
0x50: {  	_ =	shalt  }
0x51: {  	_ =	shalt  }
0x52: {  	_ =	shalt  }
0x53: {  	_ =	shalt  }
0x54: {  	_ =	shalt  }
0x55: {  	_ =	shalt  }
0x56: {  	_ =	shalt  }
0x57: {  	_ =	shalt  }
0x58: {  	_ =	shalt  }
0x59: {  	_ =	shalt  }
0x5a: {  	_ =	shalt  }
0x5b: {  	_ =	shalt  }
0x5c: {  	_ =	shalt  }
0x5d: {  	_ =	shalt  }
0x5e: {  	_ =	shalt  }
0x5f: {  	_ =	shalt  }
0x60: {  	_ =	shalt  }
0x61: {  	_ =	shalt  }
0x62: {  	_ =	shalt  }
0x63: {  	_ =	shalt  }
0x64: {  	_ =	shalt  }
0x65: {  	_ =	shalt  }
0x66: {  	_ =	shalt  }
0x67: {  	_ =	shalt  }
0x68: {  	_ =	shalt  }
0x69: {  	_ =	shalt  }
0x6a: {  	_ =	shalt  }
0x6b: {  	_ =	shalt  }
0x6c: {  	_ =	shalt  }
0x6d: {  	_ =	shalt  }
0x6e: {  	_ =	shalt  }
0x6f: {  	_ =	shalt  }
0x70: {  	_ =	shalt  }
0x71: {  	_ =	shalt  }
0x72: {  	_ =	shalt  }
0x73: {  	_ =	shalt  }
0x74: {  	_ =	shalt  }
0x75: {  	_ =	shalt  }
0x76: {  	_ =	shalt  }
0x77: {  	_ =	shalt  }
0x78: {  	_ =	shalt  }
0x79: {  	_ =	shalt  }
0x7a: {  	_ =	shalt  }
0x7b: {  	_ =	shalt  }
0x7c: {  	_ =	shalt  }
0x7d: {  	_ =	shalt  }
0x7e: {  	_ =	shalt  }
0x7f: {  	_ =	shalt  }
0x80: {  	_ =	shalt  }
0x81: {  	_ =	shalt  }
0x82: {  	_ =	shalt  }
0x83: {  	_ =	shalt  }
0x84: {  	_ =	shalt  }
0x85: {  	_ =	shalt  }
0x86: {  	_ =	shalt  }
0x87: {  	_ =	shalt  }
.Lfunc_end0:
.L_simem_size_0:
called_computation_lowered:
.L_overlay_start_0:
0x88: {  	s2 =	sld [smem:$0x3FD9]  }
0x89: {  	s3 =	sld [smem:$0x3FFE];
	_ =	sdelay $0x1  }
0x8a: {  	s1 =	srdreg.scid  }
0x8b: {  	s0 =	sand.u32 $0x1, s1  }
0x8c: {  	s16 =	sshll.u32 s0, $0xA;
	s2 =	sadd.s32 s3, s2  }
0x8d: {  	s2 =	sadd.s32 s2, s16  }
0x8e: {  	[smem:$0x3FC6] =	sst s2  }
0x8f: {  	_ = 	snop  }
0x90: {  	(tm) =	ssettm $0x1  }
0x91: {  	s17 =	sld [smem:$0x3FFB];
	_ =	sdelay $0x3  }
0x92: {  	_ =	strace s17  }
0x93: {  	s2 =	sld [smem:$0x3FFC];
	_ =	sdelay $0x3  }
0x94: {  	_ =	strace s2  }
0x95: {  	s2 =	sld [smem:$0x3FFD];
	_ =	sdelay $0x3  }
0x96: {  	_ =	strace s2  }
0x97: {  	_ =	strace $0x8FFFFFFF  }
0x98: {  	s18 =	sld [smem:$0x3FDB];
	_ =	sdelay $0x1  }
0x99: {  	s19 =	simm.s32 $_scs_section_size  }
0x9a: {  	s4 =	simm.s32 $_size__tile_overlayer_lowered;
	s5 =	simm.s32 $_tile_overlayer_lowered  }
0x9b: {  	s22 =	simm.s32 $0x1BFF;
	s21 =	sshll.u32 s5, $0x1;
	s2 =	sadd.s32 s19, s18  }
0x9c: {  	s6 =	simm.s32 $0x0;
	s20 =	sshll.u32 s4, $0x1;
	s4 =	sadd.s32 s21, s2  }
0x9d: {  	[timem:s6], [sflag:s22] =	dma.local [hbm:s4], s20  }
0x9e: {  	_ =	swait.ge [sflag:s22], s20  }
0x9f: {  	s3 =	ssub.s32 $0x0, s20;
	[sflag:s22] =	ssyncset.done $0x0  }
0xa0: {  	[sflag:s22] =	ssyncadd.s32 s3;
	_ =	sdelay $0x1  }
0xa1: {  	s23 =	simm.s32 $0x1B8B  }
0xa2: {  	_ =	swait.ge [sflag:s23], $0x1  }
0xa3: {  	[sflag:s23] =	ssyncset.done $0x0  }
0xa4: {  	s25 =	simm.s32 $0x1B8E;
	s24 =	sld [smem:$0x3FFE];
	[sflag:s23] =	ssyncadd.s32 $0xFFFFFFFF  }
0xa5: {  	s26 =	simm.s32 $execute0_lowered;
	[smem:$0x3FD2] =	sst s25  }
0xa6: {  	s4 =	sshll.u32 s26, $0x1;
	_ =	strace $0x80000046;
	[dreg:$0x1] =	wrdreg $0xFFFFFFFF  }
0xa7: {  	s28 =	simm.s32 $_size_execute0_lowered;
	s2 =	sadd.s32 s2, s4;
	[dreg:$0x0] =	wrdreg $0x0  }
0xa8: {  	s4 =	sshll.u32 s28, $0x1;
	[dreg:$0x2] =	wrdreg s2  }
0xa9: {  	[dreg:$0x3] =	wrdreg s4  }
0xaa: {  	[dreg:$0x4] =	wrdreg $0xC0  }
0xab: {  	_ =	task [dreg:s6], $0x5FFFF  }
0xac: {  	[dreg:$0x1] =	wrdreg $0xFFFFFFFF  }
0xad: {  	[dreg:$0x0] =	wrdreg $0x60  }
0xae: {  	[dreg:$0x2] =	wrdreg s24  }
0xaf: {  	[dreg:$0x3] =	wrdreg $0x9  }
0xb0: {  	_ =	task.clear_ibuf [dreg:s6], $0x4FFFF;
	_ =	strace $0x90000046  }
0xb1: {  	s29 =	simm.s32 $0x9;
	_ =	strace $0x80000048  }
0xb2: {  	_ =	swait.ge [sflag:s29], $0x1  }
0xb3: {  	[sflag:s29] =	ssyncadd.s32 $0xFFFFFFFF  }
0xb4: {  	_ =	strace $0x90000048  }
0xb5: {  	_ =	sfence  }
0xb6: {  	s30 =	sld [smem:$0x0];
	_ =	sdelay $0x2  }
0xb7: {  	s31 =	sshll.u32 s1, $0xD;
	s1 =	sshrl.u32 s1, $0x2  }
0xb8: {  	s3 =	sand.u32 $0x4000, s31;
	s1 =	sadd.s32 s1, s30  }
0xb9: {  	s0 =	sor.u32 s3, s0;
	s1 =	sshll.u32 s1, $0x11  }
0xba: {  	s0 =	sor.u32 s1, s0  }
0xbb: {  	s0 =	sadd.s32 $0x8F2B, s0  }
0xbc: {  	[sflag:s0] =	ssyncadd.remote.s32 $0x1  }
0xbd: {  	_ =	sfence.sel $0xFFFF  }
0xbe: {  	[dreg:$0x0] =	wrdreg $0xFFFFFFFF;
	(pc) =	sbr.abs _section_cstart, $3  }
0xbf: {  	[dreg:$0x1] =	wrdreg $0xFFFFFFFF  }
0xc0: {  	_ =	task.clear_ibuf [dreg:s6], $0x2FFFF;
	_ =	strace $0x9FFFFFFF  }
0xc1: {  	(tm) =	ssettm $0x7FFFFFFF  }
tec
execute0_lowered:
.L_overlay_start_1:
0x0: {  	(tag) =	ssettag $0x1  }
0x1: {  	s3 =	rddreg [dreg:$0x0]  }
0x2: {  	s0 =	rddreg [dreg:$0x1];
	s2 =	simm.s32 $0x0  }
0x3: {  	s1 =	stileid.u32;
	s4 =	srdreg.scid;
	s12 =	simm.s32 $0x1  }
0x4: {  	s13 =	simm.s32 $0xD680;
	s14 =	simm.s32 $0x80;
	s15 =	simm.s32 $0x400  }
0x5: {  	s16 =	simm.s32 $0xD700;
	s17 =	simm.s32 $0x0;
	[smem:$0x7FF] =	sst s2  }
0x6: {  	s5 =	sshll.u32 s1, $0x9;
	s4 =	sand.u32 $0x1, s4;
	s6 =	sshll.u32 s1, $0x1  }
0x7: {  	s8 =	sshrl.u32 s1, $0x2;
	_ =	strace $0x80000047;
	s7 =	sor.u32 $0x7C0, s5  }
0x8: {  	s6 =	sor.u32 s4, s6;
	s5 =	sand.u32 $0x1800, s5;
	s10 =	sshll.u32 s8, $0xA  }
0x9: {  	s8 =	sshll.u32 s8, $0xC;
	s4 =	ssub.s32 $0x2, s4;
	s9 =	sshll.u32 s6, $0x7  }
0xa: {  	s7 =	sadd.s32 s7, s3;
	s5 =	sadd.s32 s5, s3;
	s9 =	sand.u32 $0x380, s9  }
0xb: {  	s31 =	sshrl.u32 s4, $0x1;
	s10 =	sor.u32 s10, s9;
	s8 =	sor.u32 s8, s9  }
0xc: {  	s11 =	sand.u32 $0x7, s6;
	s10 =	sshrl.u32 s10, $0x3;
	s8 =	sshrl.u32 s8, $0x3  }
0xd: {  	s30 =	sadd.s32 s10, s3;
	s8 =	sadd.s32 s8, s3;
	s10 =	ssub.s32 s4, s31  }
0xe: {  	s3 =	sadd.s32 $0x400, s7;
	s4 =	sadd.s32 $0x2400, s5;
	s5 =	sshll.u32 s11, $0x4  }
0xf: {  	s7 =	sshll.u32 s11, $0x9;
	s11 =	simm.s32 $0x4000;
	s6 =	sadd.s32 $0x4C00, s30  }
0x10: {  	s8 =	sadd.s32 $0x4400, s8;
	s9 =	smax.u32 s10, $0x1;
	s10 =	simm.s32 $0x200  }
.LBB2_1:
0x11: {  	[tilespmem:s2], [sflag:$0x1] =	stream.strided.gather [hbm4b:s3+s10], $0x0, s11, s10, $0x38;
	[tilespmem:$0xD900] =	vst v63  }
0x12: {  	_ = 	snop  }
0x13: {  	[tilespmem:s2], [sflag:$0x1] =	stream.linear.gather [hbm4b:s3+s2], $0x180, $0x38;
	[tilespmem:$0xD900] =	vst v63  }
0x14: {  	_ =	swait.ge [sflag:s12], $0x180  }
0x15: {  	[sflag:s12] =	ssyncset.done $0x0  }
0x16: {  	[sflag:s12] =	ssyncadd.s32 $0xFFFFFE80  }
0x17: {  	[tilespmem:s10], [sflag:$0x1] =	stream.linear.gather [hbm4b:s4+s2], $0x4000, $0x38;
	[tilespmem:$0xD900] =	vst v63  }
0x18: {  	_ =	swait.ge [sflag:s12], $0x4000  }
0x19: {  	[sflag:s12] =	ssyncset.done $0x0  }
0x1a: {  	s19 =	simm.s32 $0x0;
	[sflag:s12] =	ssyncadd.s32 $0xFFFFC000  }
0x1b: {  	v0 =	vld [tilespmem:s19+$0x100]  }
0x1c: {  	v2 =	vld [tilespmem:s19+$0x0]  }
0x1d: {  	v3 =	vld [tilespmem:s19+$0x80];
	_ =	sdelay $0x2  }
0x1e: {  	v4 =	vmul.f32 v0, v0  }
0x1f: {  	v1 =	vshrl.u32 v0, $0x10;
	v5 =	vmul.f32 v2, v2;
	v6 =	vshrl.u32 v2, $0x10  }
0x20: {  	s18 =	simm.s32 $0x10;
	v7 =	vshrl.u32 v3, $0x10;
	v9 =	vmul.f32 v3, v3;
	v1 =	vand.u32 $0x1, v1  }
0x21: {  	v8 =	vld [tilespmem:s18+$0x100];
	v6 =	vand.u32 $0x1, v6;
	v7 =	vand.u32 $0x1, v7;
	v0 =	vadd.s32 v1, v0  }
0x22: {  	v1 =	vld [tilespmem:s18+$0x0];
	v6 =	vadd.s32 v6, v2;
	v3 =	vadd.s32 v7, v3;
	v0 =	vadd.s32 $0x7FFF, v0  }
0x23: {  	v2 =	vld [tilespmem:s18+$0x80];
	v5 =	vadd.f32 v9, v5;
	v6 =	vadd.s32 $0x7FFF, v6;
	v0 =	vand.u32 $0xFFFF0000, v0  }
0x24: {  	v3 =	vadd.s32 $0x7FFF, v3;
	v6 =	vand.u32 $0xFFFF0000, v6;
	v7 =	vmul.f32 $-2.000000000e+00, v0;
	[tilespmem:s19+$0x4300] =	vst v0  }
0x25: {  	v3 =	vand.u32 $0xFFFF0000, v3;
	v5 =	vadd.f32 v4, v5;
	v9 =	vmul.f32 $-2.000000000e+00, v6;
	[tilespmem:s19+$0x4200] =	vst v6  }
0x26: {  	v10 =	vmul.f32 $-2.000000000e+00, v3;
	v0 =	vmul.f32 v8, v8;
	[tilespmem:s19+$0x8500] =	vst v7;
	v7 =	vshrl.u32 v8, $0x10  }
0x27: {  	v4 =	vmul.f32 v1, v1;
	v6 =	vshrl.u32 v1, $0x10;
	[tilespmem:s19+$0x8400] =	vst v9;
	v11 =	vand.u32 $0x1, v7  }
0x28: {  	s20 =	simm.s32 $0x20;
	s21 =	simm.s32 $0xC0;
	[tilespmem:s19+$0x8480] =	vst v10;
	v6 =	vand.u32 $0x1, v6;
	v7 =	vshrl.u32 v2, $0x10;
	v8 =	vadd.s32 v11, v8  }
.LBB2_2:
0x29: {  	p0 =	sne.s32 s21, $0x1C0;
	v9 =	vld [tilespmem:s20+$0x100];
	v10 =	vmul.f32 v2, v2;
	v7 =	vand.u32 $0x1, v7;
	v8 =	vadd.s32 $0x7FFF, v8;
	[tilespmem:s19+$0xC600] =	vst v5  }
0x2a: {  	v5 =	vadd.s32 v6, v1;
	v1 =	vld [tilespmem:s20+$0x0];
	v6 =	vadd.s32 v7, v2;
	v7 =	vand.u32 $0xFFFF0000, v8;
	[tilespmem:s19+$0x4280] =	vst v3;
	s19 =	smov.u32 s18;
	s18 =	smov.u32 s20  }
0x2b: {  	v3 =	vadd.s32 $0x7FFF, v5;
	v2 =	vld [tilespmem:s18+$0x80];
	v5 =	vadd.s32 $0x7FFF, v6;
	[tilespmem:s19+$0x4300] =	vst v7;
	v6 =	vmul.f32 $-2.000000000e+00, v7  }
.Ltmp0:
0x2c: {  	v4 =	vadd.f32 v10, v4;
	v7 =	vand.u32 $0xFFFF0000, v3;
	v3 =	vand.u32 $0xFFFF0000, v5;
	(pc) =	sbr.rel @p0 .LBB2_2-.Ltmp0, $4  }
0x2d: {  	v8 =	vmul.f32 $-2.000000000e+00, v7;
	v10 =	vmul.f32 $-2.000000000e+00, v3;
	[tilespmem:s19+$0x8500] =	vst v6  }
0x2e: {  	v5 =	vadd.f32 v0, v4;
	v6 =	vshrl.u32 v9, $0x10;
	v0 =	vmul.f32 v9, v9;
	[tilespmem:s19+$0x4200] =	vst v7  }
0x2f: {  	v4 =	vmul.f32 v1, v1;
	v7 =	vshrl.u32 v1, $0x10;
	v11 =	vand.u32 $0x1, v6;
	[tilespmem:s19+$0x8400] =	vst v8  }
0x30: {  	s20 =	sshra.s32 s21, $0x2;
	s21 =	sadd.s32 $0x40, s21;
	v6 =	vand.u32 $0x1, v7;
	v7 =	vshrl.u32 v2, $0x10;
	v8 =	vadd.s32 v11, v9;
	[tilespmem:s19+$0x8480] =	vst v10  }
0x31: {  	v9 =	vld [tilespmem:s20+$0x100];
	[tilespmem:s19+$0xC600] =	vst v5;
	v5 =	vmul.f32 v2, v2;
	v7 =	vand.u32 $0x1, v7  }
0x32: {  	v8 =	vadd.s32 $0x7FFF, v8;
	v1 =	vadd.s32 v6, v1;
	v10 =	vld [tilespmem:s20+$0x0];
	v2 =	vadd.s32 v7, v2;
	[tilespmem:s19+$0x4280] =	vst v3  }
0x33: {  	v55 =	vand.u32 $0xFFFF0000, v8;
	v1 =	vadd.s32 $0x7FFF, v1;
	v3 =	vld [tilespmem:s20+$0x80];
	v2 =	vadd.s32 $0x7FFF, v2  }
0x34: {  	v56 =	vmul.f32 $-2.000000000e+00, v55;
	[tilespmem:s18+$0x4300] =	vst v55;
	v4 =	vadd.f32 v5, v4;
	v1 =	vand.u32 $0xFFFF0000, v1  }
0x35: {  	v2 =	vand.u32 $0xFFFF0000, v2;
	v5 =	vmul.f32 $-2.000000000e+00, v1;
	[tilespmem:s18+$0x4200] =	vst v1  }
0x36: {  	v57 =	vmul.f32 $-2.000000000e+00, v2;
	[tilespmem:s18+$0x8500] =	vst v56;
	v0 =	vadd.f32 v0, v4;
	v58 =	vshrl.u32 v9, $0x10  }
0x37: {  	[tilespmem:s18+$0x4280] =	vst v2;
	v1 =	vshrl.u32 v10, $0x10;
	v4 =	vand.u32 $0x1, v58;
	v59 =	vmul.f32 v10, v10  }
0x38: {  	[tilespmem:s18+$0x8400] =	vst v5;
	v1 =	vand.u32 $0x1, v1;
	v4 =	vadd.s32 v4, v9;
	v5 =	vshrl.u32 v3, $0x10  }
0x39: {  	[tilespmem:s18+$0xC600] =	vst v0;
	v60 =	vmul.f32 v3, v3;
	v4 =	vadd.s32 $0x7FFF, v4;
	v0 =	vadd.s32 v1, v10  }
0x3a: {  	[tilespmem:s18+$0x8480] =	vst v57;
	v5 =	vand.u32 $0x1, v5;
	v1 =	vand.u32 $0xFFFF0000, v4;
	v0 =	vadd.s32 $0x7FFF, v0  }
0x3b: {  	v3 =	vadd.s32 v5, v3;
	v2 =	vmul.f32 $-2.000000000e+00, v1;
	[tilespmem:s20+$0x4300] =	vst v1;
	v0 =	vand.u32 $0xFFFF0000, v0  }
0x3c: {  	v4 =	vmul.f32 v9, v9;
	v3 =	vadd.s32 $0x7FFF, v3;
	[tilespmem:s20+$0x4200] =	vst v0  }
0x3d: {  	v1 =	vadd.f32 v60, v59;
	v3 =	vand.u32 $0xFFFF0000, v3;
	v5 =	vmul.f32 $-2.000000000e+00, v0;
	[tilespmem:s20+$0x8500] =	vst v2  }
0x3e: {  	v2 =	vmul.f32 $-2.000000000e+00, v3;
	[tilespmem:s20+$0x4280] =	vst v3  }
0x3f: {  	s29 =	simm.s32 $0x0;
	v0 =	vadd.f32 v4, v1;
	[tilespmem:s20+$0x8400] =	vst v5  }
0x40: {  	s30 =	sand.u32 $0x70, s29;
	s18 =	sand.u32 $0x3E00, s29;
	[tilespmem:s20+$0x8480] =	vst v2  }
0x41: {  	s18 =	sor.u32 s30, s18;
	[tilespmem:s20+$0xC600] =	vst v0  }
0x42: {  	v0 =	vld [tilespmem:s18+$0x300]  }
0x43: {  	v1 =	vld [tilespmem:s18+$0x280]  }
0x44: {  	v2 =	vld [tilespmem:s18+$0x200];
	_ =	sdelay $0x3  }
0x45: {  	v3 =	vshrl.u32 v0, $0x10  }
0x46: {  	v4 =	vmul.f32 v0, v0;
	v5 =	vshrl.u32 v1, $0x10;
	v61 =	vmul.f32 v2, v2  }
0x47: {  	v62 =	vmul.f32 v1, v1;
	v63 =	vshrl.u32 v2, $0x10;
	v3 =	vand.u32 $0x1, v3  }
0x48: {  	v8 =	vand.u32 $0x1, v63;
	v5 =	vand.u32 $0x1, v5;
	v0 =	vadd.s32 v3, v0  }
0x49: {  	v3 =	vadd.f32 v62, v61;
	v2 =	vadd.s32 v8, v2;
	v1 =	vadd.s32 v5, v1  }
0x4a: {  	s31 =	simm.s32 $0x10;
	s22 =	simm.s32 $0x20;
	v2 =	vadd.s32 $0x7FFF, v2;
	v1 =	vadd.s32 $0x7FFF, v1;
	v0 =	vadd.s32 $0x7FFF, v0  }
0x4b: {  	s21 =	sand.u32 $0x70, s31;
	s19 =	simm.s32 $0x40;
	s20 =	simm.s32 $0x0;
	v3 =	vadd.f32 v4, v3;
	v2 =	vand.u32 $0xFFFF0000, v2;
	v0 =	vand.u32 $0xFFFF0000, v0  }
.LBB2_4:
0x4c: {  	s25 =	smov.u32 s22  }
0x4d: {  	s23 =	sand.u32 $0x70, s22;
	s24 =	sand.u32 $0x3E00, s19;
	v4 =	vmul.f32 $-2.000000000e+00, v2;
	s25 =	sadd.s32 $0x10, s22  }
0x4e: {  	p0 =	sne.s32 s22, $0xFF0;
	v1 =	vand.u32 $0xFFFF0000, v1;
	s22 =	sor.u32 s21, s24;
	[tilespmem:s20+$0xC680] =	vst v3;
	s20 =	sshra.s32 s19, $0x2;
	v3 =	vmul.f32 $-2.000000000e+00, v0  }
0x4f: {  	s21 =	smov.u32 s23;
	v5 =	vld [tilespmem:s22+$0x300];
	[tilespmem:s18+$0x4400] =	vst v2;
	v2 =	vmul.f32 $-2.000000000e+00, v1  }
0x50: {  	v6 =	vld [tilespmem:s22+$0x280];
	[tilespmem:s18+$0x8700] =	vst v3  }
0x51: {  	v3 =	vld [tilespmem:s22+$0x200];
	[tilespmem:s18+$0x8680] =	vst v2  }
0x52: {  	[tilespmem:s18+$0x8600] =	vst v4  }
0x53: {  	[tilespmem:s18+$0x4500] =	vst v0  }
0x54: {  	v0 =	vshrl.u32 v5, $0x10;
	[tilespmem:s18+$0x4480] =	vst v1;
	s18 =	smov.u32 s22  }
0x55: {  	v2 =	vmul.f32 v5, v5;
	v1 =	vshrl.u32 v6, $0x10;
	v0 =	vand.u32 $0x1, v0  }
.Ltmp1:
0x56: {  	v7 =	vmul.f32 v6, v6;
	v4 =	vmul.f32 v3, v3;
	v8 =	vshrl.u32 v3, $0x10;
	(pc) =	sbr.rel @p0 .LBB2_4-.Ltmp1, $4  }
0x57: {  	v1 =	vand.u32 $0x1, v1;
	v0 =	vadd.s32 v0, v5;
	v8 =	vand.u32 $0x1, v8  }
0x58: {  	v1 =	vadd.s32 v1, v6;
	v4 =	vadd.f32 v7, v4;
	v3 =	vadd.s32 v8, v3  }
0x59: {  	v0 =	vadd.s32 $0x7FFF, v0;
	v1 =	vadd.s32 $0x7FFF, v1;
	v5 =	vadd.s32 $0x7FFF, v3  }
0x5a: {  	s19 =	sadd.s32 $0x40, s19;
	s22 =	smov.u32 s25;
	v0 =	vand.u32 $0xFFFF0000, v0;
	v3 =	vadd.f32 v2, v4;
	v2 =	vand.u32 $0xFFFF0000, v5  }
0x5b: {  	s22 =	sand.u32 $0x3E00, s19  }
0x5c: {  	v4 =	vmul.f32 $-2.000000000e+00, v0;
	s21 =	sor.u32 s21, s22;
	[tilespmem:s20+$0xC680] =	vst v3  }
0x5d: {  	v3 =	vld [tilespmem:s21+$0x300];
	[tilespmem:s18+$0x4400] =	vst v2  }
0x5e: {  	v5 =	vld [tilespmem:s21+$0x280];
	[tilespmem:s18+$0x8700] =	vst v4  }
0x5f: {  	v4 =	vld [tilespmem:s21+$0x200];
	_ =	sdelay $0x1  }
0x60: {  	v1 =	vand.u32 $0xFFFF0000, v1  }
0x61: {  	v6 =	vmul.f32 $-2.000000000e+00, v1  }
0x62: {  	v2 =	vmul.f32 $-2.000000000e+00, v2;
	v10 =	vmul.f32 v3, v3  }
0x63: {  	v7 =	vshrl.u32 v3, $0x10;
	v9 =	vmul.f32 v5, v5;
	v8 =	vmul.f32 v4, v4  }
0x64: {  	v11 =	vshrl.u32 v5, $0x10;
	v62 =	vand.u32 $0x1, v7;
	v12 =	vshrl.u32 v4, $0x10  }
0x65: {  	[tilespmem:s18+$0x8600] =	vst v2;
	v2 =	vand.u32 $0x1, v11;
	v3 =	vadd.s32 v62, v3;
	v8 =	vadd.f32 v9, v8  }
0x66: {  	[tilespmem:s18+$0x4500] =	vst v0;
	v63 =	vand.u32 $0x1, v12;
	v0 =	vadd.s32 v2, v5;
	v2 =	vadd.s32 $0x7FFF, v3  }
0x67: {  	[tilespmem:s18+$0x8680] =	vst v6;
	v4 =	vadd.s32 v63, v4;
	v0 =	vadd.s32 $0x7FFF, v0;
	v3 =	vadd.f32 v10, v8  }
0x68: {  	s28 =	sshra.s32 s19, $0x2;
	[tilespmem:s18+$0x4480] =	vst v1;
	v1 =	vadd.s32 $0x7FFF, v4;
	v0 =	vand.u32 $0xFFFF0000, v0  }
0x69: {  	v1 =	vand.u32 $0xFFFF0000, v1;
	v4 =	vmul.f32 $-2.000000000e+00, v0;
	[tilespmem:s28+$0xC680] =	vst v3  }
0x6a: {  	[tilespmem:s21+$0x4400] =	vst v1  }
0x6b: {  	v2 =	vand.u32 $0xFFFF0000, v2;
	[tilespmem:s21+$0x8680] =	vst v4  }
0x6c: {  	v3 =	vmul.f32 $-2.000000000e+00, v2;
	[tilespmem:s21+$0x4500] =	vst v2  }
0x6d: {  	v1 =	vmul.f32 $-2.000000000e+00, v1;
	[tilespmem:s21+$0x4480] =	vst v0  }
0x6e: {  	[tilespmem:s21+$0x8700] =	vst v3  }
0x6f: {  	s29 =	simm.s32 $0x0;
	[tilespmem:s21+$0x8600] =	vst v1  }
0x70: {  	v0 =	vld [tilespmem:s29+$0xC680];
	_ =	sdelay $0x4  }
0x71: {  	v1 =	vbroadcast v0, $0xF  }
0x72: {  	v2 =	vbroadcast v0, $0x9  }
0x73: {  	v3 =	vbroadcast v0, $0x7;
	[tilespmem:$0x1FF20] =	vst v1  }
0x74: {  	v4 =	vbroadcast v0, $0x5;
	[tilespmem:$0x1FF70] =	vst v2  }
0x75: {  	v1 =	vbroadcast v0, $0xD;
	[tilespmem:$0x1FF90] =	vst v3  }
0x76: {  	s18 =	simm.s32 $0x0;
	v2 =	vbroadcast v0, $0xA;
	[tilespmem:$0x1FFB0] =	vst v4  }
0x77: {  	s30 =	sand.u32 $0x70, s18;
	s31 =	sand.u32 $0x3E00, s18;
	v3 =	vbroadcast v0, $0x8;
	[tilespmem:$0x1FF30] =	vst v1  }
0x78: {  	s19 =	sor.u32 s30, s31;
	v4 =	vbroadcast v0, $0x6;
	[tilespmem:$0x1FF80] =	vst v2  }
0x79: {  	v1 =	vbroadcast v0, $0xE;
	v2 =	vld [tilespmem:s19+$0x8600];
	[tilespmem:$0x1FFA0] =	vst v3  }
0x7a: {  	v3 =	vld [tilespmem:s19+$0x8680];
	[tilespmem:$0x1FFC0] =	vst v4;
	v4 =	vbroadcast v0, $0x3  }
0x7b: {  	[tilespmem:$0x1FF40] =	vst v1;
	v1 =	vbroadcast v0, $0xB  }
0x7c: {  	v17 =	vbroadcast v0, $0x1;
	[tilespmem:$0x1FFD0] =	vst v4;
	v4 =	vbroadcast v0, $0x4  }
0x7d: {  	v18 =	vbroadcast v0, $0x0;
	[tilespmem:$0x1FF50] =	vst v1;
	v1 =	vbroadcast v0, $0xC  }
0x7e: {  	[tilespmem:$0x1FFE0] =	vst v4;
	v4 =	vbroadcast v0, $0x2;
	v24 =	vbroadcast v2, $0xF  }
0x7f: {  	v26 =	vbroadcast v3, $0xF;
	v30 =	vbroadcast v2, $0xE  }
0x80: {  	v33 =	vbroadcast v3, $0xE;
	v39 =	vbroadcast v2, $0xD  }
0x81: {  	v54 =	vbroadcast v3, $0xD;
	v57 =	vbroadcast v2, $0xC  }
0x82: {  	v61 =	vbroadcast v3, $0xC;
	v62 =	vbroadcast v2, $0xB  }
0x83: {  	v63 =	vbroadcast v3, $0xB;
	v5 =	vbroadcast v2, $0xA  }
0x84: {  	v7 =	vbroadcast v3, $0xA;
	v8 =	vbroadcast v2, $0x9  }
0x85: {  	v10 =	vbroadcast v3, $0x9;
	v13 =	vbroadcast v2, $0x8  }
0x86: {  	v14 =	vbroadcast v3, $0x8;
	v22 =	vbroadcast v2, $0x7  }
0x87: {  	v35 =	vbroadcast v3, $0x7;
	v43 =	vbroadcast v2, $0x6  }
0x88: {  	v37 =	vbroadcast v3, $0x6;
	v45 =	vbroadcast v2, $0x5  }
0x89: {  	v12 =	vld [tilespmem:s5+$0x4280];
	v38 =	vbroadcast v3, $0x5;
	v46 =	vbroadcast v2, $0x4  }
0x8a: {  	v15 =	vld [tilespmem:s5+$0x4200];
	v40 =	vbroadcast v3, $0x4;
	v47 =	vbroadcast v2, $0x3  }
0x8b: {  	v50 =	vbroadcast v2, $0x2;
	v49 =	vbroadcast v2, $0x1  }
0x8c: {  	v48 =	vbroadcast v2, $0x0;
	v32 =	vbroadcast v3, $0x3  }
0x8d: {  	v34 =	vbroadcast v3, $0x2;
	v42 =	vbroadcast v3, $0x1  }
0x8e: {  	v44 =	vbroadcast v3, $0x0;
	[tilespmem:$0x1FF60] =	vst v1;
	v1 =	vld [tilespmem:s19+$0x8700];
	v52 =	vmul.f32 v26, v12  }
0x8f: {  	v55 =	vmul.f32 v30, v15;
	v58 =	vmul.f32 v33, v12  }
0x90: {  	v53 =	vmul.f32 v39, v15;
	v54 =	vmul.f32 v54, v12  }
0x91: {  	v59 =	vmul.f32 v57, v15;
	v57 =	vmul.f32 v63, v12  }
0x92: {  	v2 =	vmul.f32 v13, v15;
	v63 =	vmul.f32 v22, v15  }
0x93: {  	v3 =	vmul.f32 v14, v12;
	v0 =	vbroadcast v1, $0xF  }
0x94: {  	v20 =	vbroadcast v1, $0xD;
	v51 =	vbroadcast v1, $0xE  }
0x95: {  	v28 =	vbroadcast v1, $0xC;
	v31 =	vbroadcast v1, $0xB  }
0x96: {  	v56 =	vbroadcast v1, $0xA;
	v60 =	vbroadcast v1, $0x9  }
0x97: {  	v9 =	vld [tilespmem:s5+$0x4300];
	[tilespmem:$0x1FFF0] =	vst v4;
	v4 =	vbroadcast v1, $0x8;
	v6 =	vbroadcast v1, $0x7  }
0x98: {  	v11 =	vbroadcast v1, $0x6;
	v23 =	vbroadcast v1, $0x5  }
0x99: {  	v25 =	vbroadcast v1, $0x4;
	v27 =	vbroadcast v1, $0x3  }
0x9a: {  	v29 =	vbroadcast v1, $0x2;
	v36 =	vbroadcast v1, $0x1  }
0x9b: {  	v41 =	vbroadcast v1, $0x0;
	v1 =	vmul.f32 v7, v12  }
0x9c: {  	v19 =	vmul.f32 v0, v9;
	v21 =	vmul.f32 v20, v9  }
0x9d: {  	v20 =	vmul.f32 v51, v9;
	v51 =	vmul.f32 v24, v15  }
0x9e: {  	v24 =	vmul.f32 v28, v9;
	v26 =	vmul.f32 v31, v9  }
0x9f: {  	v28 =	vmul.f32 v56, v9;
	v30 =	vmul.f32 v60, v9  }
0xa0: {  	v0 =	vmul.f32 v61, v12;
	v56 =	vmul.f32 v62, v15  }
0xa1: {  	v31 =	vmul.f32 v4, v9;
	v61 =	vmul.f32 v5, v15  }
0xa2: {  	v33 =	vmul.f32 v6, v9;
	v60 =	vmul.f32 v8, v15  }
0xa3: {  	s19 =	simm.s32 $0x10;
	v22 =	vimm.f32 $1.000000020e+30;
	v62 =	vmul.f32 v10, v12;
	v39 =	vmul.f32 v11, v9  }
.LBB2_6:
0xa4: {  	v50 =	vmul.f32 v50, v15;
	v34 =	vmul.f32 v34, v12  }
0xa5: {  	v4 =	vld [tilespmem:$0x1FFF0]  }
0xa6: {  	v29 =	vmul.f32 v29, v9;
	v34 =	vadd.f32 v34, v50;
	_ =	sdelay $0x1  }
0xa7: {  	v35 =	vmul.f32 v35, v12;
	v29 =	vadd.f32 v29, v34  }
0xa8: {  	v47 =	vmul.f32 v47, v15;
	v32 =	vmul.f32 v32, v12  }
0xa9: {  	v48 =	vmul.f32 v48, v15;
	v44 =	vmul.f32 v44, v12;
	v16 =	vadd.f32 v29, v4;
	v4 =	vld [tilespmem:$0x1FFD0]  }
0xaa: {  	v27 =	vmul.f32 v27, v9;
	v32 =	vadd.f32 v32, v47  }
0xab: {  	v41 =	vmul.f32 v41, v9;
	v35 =	vadd.f32 v35, v63;
	v63 =	vadd.f32 v44, v48  }
0xac: {  	v27 =	vadd.f32 v27, v32  }
0xad: {  	v46 =	vmul.f32 v46, v15;
	v40 =	vmul.f32 v40, v12;
	v41 =	vadd.f32 v41, v63  }
0xae: {  	v49 =	vmul.f32 v49, v15;
	v42 =	vmul.f32 v42, v12;
	v14 =	vadd.f32 v27, v4;
	v4 =	vld [tilespmem:$0x1FFE0]  }
0xaf: {  	v25 =	vmul.f32 v25, v9;
	v40 =	vadd.f32 v40, v46;
	v18 =	vadd.f32 v41, v18  }
0xb0: {  	v36 =	vmul.f32 v36, v9;
	v42 =	vadd.f32 v42, v49  }
0xb1: {  	v18 =	vmin.f32 v22, v18;
	v22 =	vadd.f32 v25, v40  }
0xb2: {  	v45 =	vmul.f32 v45, v15;
	v38 =	vmul.f32 v38, v12;
	v36 =	vadd.f32 v36, v42  }
0xb3: {  	v13 =	vadd.f32 v22, v4;
	v4 =	vld [tilespmem:$0x1FFB0]  }
0xb4: {  	v23 =	vmul.f32 v23, v9;
	v38 =	vadd.f32 v38, v45;
	v17 =	vadd.f32 v36, v17;
	_ =	sdelay $0x1  }
0xb5: {  	v17 =	vmin.f32 v18, v17;
	v18 =	vadd.f32 v23, v38  }
0xb6: {  	v43 =	vmul.f32 v43, v15;
	v37 =	vmul.f32 v37, v12  }
0xb7: {  	v11 =	vadd.f32 v18, v4;
	v4 =	vld [tilespmem:$0x1FFC0]  }
0xb8: {  	v37 =	vadd.f32 v37, v43;
	_ =	sdelay $0x1  }
0xb9: {  	v16 =	vmin.f32 v17, v16;
	v17 =	vadd.f32 v39, v37;
	_ =	sdelay $0x1  }
0xba: {  	v10 =	vadd.f32 v17, v4;
	v4 =	vld [tilespmem:$0x1FF90];
	_ =	sdelay $0x2  }
0xbb: {  	v14 =	vmin.f32 v16, v14;
	v16 =	vadd.f32 v33, v35;
	_ =	sdelay $0x1  }
0xbc: {  	v8 =	vadd.f32 v16, v4;
	v4 =	vld [tilespmem:$0x1FFA0]  }
0xbd: {  	v2 =	vadd.f32 v3, v2;
	_ =	sdelay $0x1  }
0xbe: {  	v2 =	vadd.f32 v31, v2;
	_ =	sdelay $0x1  }
0xbf: {  	v2 =	vadd.f32 v2, v4;
	v4 =	vld [tilespmem:$0x1FF70]  }
0xc0: {  	v3 =	vadd.f32 v62, v60;
	_ =	sdelay $0x1  }
0xc1: {  	v3 =	vadd.f32 v30, v3;
	v13 =	vmin.f32 v14, v13  }
0xc2: {  	v11 =	vmin.f32 v13, v11  }
0xc3: {  	v10 =	vmin.f32 v11, v10;
	v3 =	vadd.f32 v3, v4;
	v4 =	vld [tilespmem:$0x1FF80]  }
0xc4: {  	v1 =	vadd.f32 v1, v61;
	v7 =	vmin.f32 v10, v8  }
0xc5: {  	v2 =	vmin.f32 v7, v2  }
0xc6: {  	v1 =	vadd.f32 v28, v1;
	v2 =	vmin.f32 v2, v3;
	v3 =	vld [tilespmem:$0x1FF50]  }
0xc7: {  	v61 =	vadd.f32 v57, v56  }
0xc8: {  	v1 =	vadd.f32 v1, v4  }
0xc9: {  	v6 =	vadd.f32 v26, v61  }
0xca: {  	v1 =	vmin.f32 v2, v1;
	v2 =	vld [tilespmem:$0x1FF60]  }
0xcb: {  	v0 =	vadd.f32 v0, v59;
	v3 =	vadd.f32 v6, v3;
	_ =	sdelay $0x1  }
0xcc: {  	s18 =	sadd.s32 $0x40, s18;
	v0 =	vadd.f32 v24, v0;
	v1 =	vmin.f32 v1, v3;
	v3 =	vld [tilespmem:$0x1FF30]  }
0xcd: {  	v59 =	vadd.f32 v54, v53;
	s20 =	sshra.s32 s18, $0x2  }
0xce: {  	v18 =	vld [tilespmem:s20+$0xC680];
	v0 =	vadd.f32 v0, v2  }
0xcf: {  	v4 =	vadd.f32 v21, v59  }
0xd0: {  	v0 =	vmin.f32 v1, v0;
	v1 =	vld [tilespmem:$0x1FF40]  }
0xd1: {  	v55 =	vadd.f32 v58, v55;
	v3 =	vadd.f32 v4, v3;
	_ =	sdelay $0x1  }
0xd2: {  	v2 =	vadd.f32 v20, v55;
	v0 =	vmin.f32 v0, v3;
	v3 =	vbroadcast v18, $0xF;
	_ =	sdelay $0x1  }
0xd3: {  	v1 =	vadd.f32 v2, v1;
	v2 =	vld [tilespmem:$0x1FF20];
	[tilespmem:$0x1FF20] =	vst v3;
	v3 =	vbroadcast v18, $0xD;
	_ =	sdelay $0x1  }
0xd4: {  	v51 =	vadd.f32 v52, v51;
	[tilespmem:$0x1FF30] =	vst v3;
	v3 =	vbroadcast v18, $0xE  }
0xd5: {  	v0 =	vmin.f32 v0, v1;
	v1 =	vbroadcast v18, $0xB  }
0xd6: {  	v4 =	vadd.f32 v19, v51;
	[tilespmem:$0x1FF40] =	vst v3;
	v3 =	vbroadcast v18, $0x5  }
0xd7: {  	[tilespmem:$0x1FF50] =	vst v1;
	v1 =	vbroadcast v18, $0xC  }
0xd8: {  	s31 =	sand.u32 $0x70, s19;
	s21 =	sand.u32 $0x3E00, s18;
	v2 =	vadd.f32 v4, v2;
	[tilespmem:$0x1FFB0] =	vst v3;
	v3 =	vbroadcast v18, $0x6  }
0xd9: {  	s20 =	sor.u32 s31, s21;
	[tilespmem:$0x1FF60] =	vst v1;
	v1 =	vbroadcast v18, $0x9  }
0xda: {  	v22 =	vmin.f32 v0, v2;
	v0 =	vld [tilespmem:s20+$0x8700];
	[tilespmem:$0x1FFC0] =	vst v3;
	v3 =	vbroadcast v18, $0x3  }
0xdb: {  	v2 =	vbroadcast v18, $0x7;
	[tilespmem:$0x1FF70] =	vst v1  }
0xdc: {  	[tilespmem:$0x1FFD0] =	vst v3;
	v3 =	vbroadcast v18, $0x4  }
0xdd: {  	v17 =	vbroadcast v18, $0x1;
	v1 =	vbroadcast v18, $0xA;
	[tilespmem:$0x1FF90] =	vst v2  }
0xde: {  	v2 =	vbroadcast v18, $0x8;
	[tilespmem:$0x1FFE0] =	vst v3;
	v3 =	vbroadcast v18, $0x2  }
0xdf: {  	v18 =	vbroadcast v18, $0x0;
	v20 =	vbroadcast v0, $0xD  }
0xe0: {  	v24 =	vbroadcast v0, $0xE;
	v30 =	vbroadcast v0, $0xC  }
0xe1: {  	v33 =	vbroadcast v0, $0xB;
	v56 =	vbroadcast v0, $0xA  }
0xe2: {  	v60 =	vbroadcast v0, $0x9;
	v4 =	vbroadcast v0, $0x8  }
0xe3: {  	v6 =	vbroadcast v0, $0x7;
	v11 =	vbroadcast v0, $0x6  }
0xe4: {  	[tilespmem:$0x1FF80] =	vst v1;
	v1 =	vld [tilespmem:s20+$0x8600];
	v23 =	vbroadcast v0, $0x5;
	v25 =	vbroadcast v0, $0x4  }
0xe5: {  	v27 =	vbroadcast v0, $0x3;
	v29 =	vbroadcast v0, $0x2  }
0xe6: {  	v36 =	vbroadcast v0, $0x1;
	v41 =	vbroadcast v0, $0x0  }
0xe7: {  	[tilespmem:$0x1FFF0] =	vst v3;
	v3 =	vbroadcast v0, $0xF;
	v21 =	vmul.f32 v20, v9  }
0xe8: {  	v20 =	vmul.f32 v24, v9;
	v24 =	vmul.f32 v30, v9  }
0xe9: {  	v30 =	vmul.f32 v60, v9;
	v26 =	vbroadcast v1, $0xF  }
0xea: {  	v31 =	vbroadcast v1, $0xE;
	v53 =	vbroadcast v1, $0xD  }
0xeb: {  	v57 =	vbroadcast v1, $0xC;
	v62 =	vbroadcast v1, $0xB  }
0xec: {  	[tilespmem:$0x1FFA0] =	vst v2;
	v2 =	vld [tilespmem:s20+$0x8680];
	v5 =	vbroadcast v1, $0xA;
	v8 =	vbroadcast v1, $0x9  }
0xed: {  	v13 =	vbroadcast v1, $0x8;
	v16 =	vbroadcast v1, $0x7  }
0xee: {  	v43 =	vbroadcast v1, $0x6;
	v45 =	vbroadcast v1, $0x5  }
0xef: {  	v46 =	vbroadcast v1, $0x4;
	v47 =	vbroadcast v1, $0x3  }
0xf0: {  	v50 =	vbroadcast v1, $0x2;
	v49 =	vbroadcast v1, $0x1  }
0xf1: {  	v48 =	vbroadcast v1, $0x0;
	v28 =	vbroadcast v2, $0xF  }
0xf2: {  	v39 =	vbroadcast v2, $0xE;
	v54 =	vbroadcast v2, $0xD  }
0xf3: {  	v61 =	vbroadcast v2, $0xC;
	v63 =	vbroadcast v2, $0xB  }
0xf4: {  	v7 =	vbroadcast v2, $0xA;
	v10 =	vbroadcast v2, $0x9  }
0xf5: {  	v14 =	vbroadcast v2, $0x8;
	v35 =	vbroadcast v2, $0x7  }
0xf6: {  	v37 =	vbroadcast v2, $0x6;
	v38 =	vbroadcast v2, $0x5  }
0xf7: {  	v40 =	vbroadcast v2, $0x4;
	v32 =	vbroadcast v2, $0x3  }
0xf8: {  	v34 =	vbroadcast v2, $0x2;
	v42 =	vbroadcast v2, $0x1  }
0xf9: {  	v44 =	vbroadcast v2, $0x0;
	v19 =	vmul.f32 v3, v9  }
0xfa: {  	v51 =	vmul.f32 v26, v15;
	v55 =	vmul.f32 v31, v15  }
0xfb: {  	v26 =	vmul.f32 v33, v9;
	v53 =	vmul.f32 v53, v15  }
0xfc: {  	v59 =	vmul.f32 v57, v15;
	v31 =	vmul.f32 v4, v9  }
0xfd: {  	v33 =	vmul.f32 v6, v9;
	v60 =	vmul.f32 v8, v15  }
0xfe: {  	v2 =	vmul.f32 v13, v15;
	v52 =	vmul.f32 v28, v12  }
0xff: {  	p0 =	sne.s32 s19, $0xFF0;
	v58 =	vmul.f32 v39, v12;
	v54 =	vmul.f32 v54, v12  }
.Ltmp2:
0x100: {  	v28 =	vmul.f32 v56, v9;
	v0 =	vmul.f32 v61, v12;
	(pc) =	sbr.rel @p0 .LBB2_6-.Ltmp2, $4  }
0x101: {  	v56 =	vmul.f32 v62, v15;
	v57 =	vmul.f32 v63, v12  }
0x102: {  	v61 =	vmul.f32 v5, v15;
	v1 =	vmul.f32 v7, v12  }
0x103: {  	v62 =	vmul.f32 v10, v12;
	v39 =	vmul.f32 v11, v9  }
0x104: {  	s19 =	sadd.s32 $0x10, s19;
	v63 =	vmul.f32 v16, v15;
	v3 =	vmul.f32 v14, v12  }
0x105: {  	v4 =	vadd.f32 v58, v55  }
0x106: {  	v5 =	vadd.f32 v52, v51;
	v6 =	vmul.f32 v43, v15;
	v7 =	vmul.f32 v45, v15  }
0x107: {  	v0 =	vadd.f32 v0, v59;
	v8 =	vmul.f32 v46, v15;
	v10 =	vmul.f32 v47, v15  }
0x108: {  	v11 =	vadd.f32 v54, v53;
	v13 =	vmul.f32 v50, v15;
	v14 =	vmul.f32 v49, v15  }
0x109: {  	v55 =	vmul.f32 v48, v15;
	v16 =	vadd.f32 v57, v56;
	v56 =	vmul.f32 v35, v12  }
0x10a: {  	v1 =	vadd.f32 v1, v61;
	v57 =	vmul.f32 v37, v12;
	v38 =	vmul.f32 v38, v12  }
0x10b: {  	v58 =	vadd.f32 v62, v60;
	v59 =	vmul.f32 v44, v12;
	v60 =	vmul.f32 v42, v12  }
0x10c: {  	v61 =	vmul.f32 v40, v12;
	v62 =	vmul.f32 v41, v9;
	v2 =	vadd.f32 v3, v2  }
0x10d: {  	v34 =	vmul.f32 v34, v12;
	v6 =	vadd.f32 v57, v6;
	v3 =	vadd.f32 v56, v63  }
0x10e: {  	v36 =	vmul.f32 v36, v9;
	v15 =	vadd.f32 v59, v55;
	v7 =	vadd.f32 v38, v7  }
0x10f: {  	v43 =	vld [tilespmem:$0x1FFF0];
	v14 =	vadd.f32 v60, v14;
	v63 =	vmul.f32 v32, v12;
	v8 =	vadd.f32 v61, v8  }
0x110: {  	v29 =	vmul.f32 v29, v9;
	v44 =	vld [tilespmem:$0x1FFD0];
	v13 =	vadd.f32 v34, v13;
	v15 =	vadd.f32 v62, v15  }
0x111: {  	v46 =	vld [tilespmem:$0x1FFE0];
	v38 =	vmul.f32 v27, v9;
	v14 =	vadd.f32 v36, v14;
	v10 =	vadd.f32 v63, v10  }
0x112: {  	v40 =	vmul.f32 v25, v9;
	v47 =	vld [tilespmem:$0x1FFB0];
	v13 =	vadd.f32 v29, v13;
	v15 =	vadd.f32 v15, v18  }
0x113: {  	v41 =	vmul.f32 v23, v9;
	v48 =	vld [tilespmem:$0x1FFC0];
	v14 =	vadd.f32 v14, v17;
	v10 =	vadd.f32 v38, v10  }
0x114: {  	v49 =	vld [tilespmem:$0x1FF90];
	v8 =	vadd.f32 v40, v8;
	v13 =	vadd.f32 v13, v43;
	v42 =	vmin.f32 v22, v15  }
0x115: {  	v51 =	vld [tilespmem:$0x1FFA0];
	v7 =	vadd.f32 v41, v7;
	v10 =	vadd.f32 v10, v44;
	v12 =	vmin.f32 v42, v14  }
0x116: {  	v52 =	vld [tilespmem:$0x1FF70];
	v6 =	vadd.f32 v39, v6;
	v8 =	vadd.f32 v8, v46;
	v45 =	vmin.f32 v12, v13  }
0x117: {  	v54 =	vld [tilespmem:$0x1FF80];
	v3 =	vadd.f32 v33, v3;
	v7 =	vadd.f32 v7, v47;
	v9 =	vmin.f32 v45, v10  }
0x118: {  	v55 =	vld [tilespmem:$0x1FF50];
	v2 =	vadd.f32 v31, v2;
	v6 =	vadd.f32 v6, v48;
	v8 =	vmin.f32 v9, v8  }
0x119: {  	v50 =	vadd.f32 v30, v58;
	v57 =	vld [tilespmem:$0x1FF60];
	v3 =	vadd.f32 v3, v49;
	v7 =	vmin.f32 v8, v7  }
0x11a: {  	v1 =	vadd.f32 v28, v1;
	v59 =	vld [tilespmem:$0x1FF30];
	v2 =	vadd.f32 v2, v51;
	v6 =	vmin.f32 v7, v6  }
0x11b: {  	v53 =	vadd.f32 v26, v16;
	v62 =	vld [tilespmem:$0x1FF40];
	v3 =	vmin.f32 v6, v3;
	v6 =	vadd.f32 v50, v52  }
0x11c: {  	v0 =	vadd.f32 v24, v0;
	v63 =	vld [tilespmem:$0x1FF20];
	v1 =	vadd.f32 v1, v54;
	v2 =	vmin.f32 v3, v2  }
0x11d: {  	v56 =	vadd.f32 v21, v11;
	v3 =	vadd.f32 v53, v55;
	v2 =	vmin.f32 v2, v6  }
0x11e: {  	v58 =	vadd.f32 v20, v4;
	v0 =	vadd.f32 v0, v57;
	v1 =	vmin.f32 v2, v1  }
0x11f: {  	v60 =	vadd.f32 v19, v5;
	v61 =	vld [tilespmem:s5+$0xC600];
	v1 =	vmin.f32 v1, v3;
	v3 =	vadd.f32 v56, v59  }
0x120: {  	v0 =	vmin.f32 v1, v0;
	v1 =	vadd.f32 v58, v62  }
0x121: {  	v2 =	vadd.f32 v60, v63;
	v0 =	vmin.f32 v0, v3  }
0x122: {  	v0 =	vmin.f32 v0, v1  }
0x123: {  	v0 =	vmin.f32 v0, v2  }
0x124: {  	v0 =	vadd.f32 v61, v0;
	_ =	sdelay $0x1  }
0x125: {  	v0 =	vmax.f32 v0, $0.0e+00  }
0x126: {  	s18 =	simm.s32 $0x0;
	[tilespmem:$0xD680] =	vst v0  }
0x127: {  	[hbm4b:s6+s18] =	stream.linear.scatter [tilespmem:s13], [sflag:$0x1], $0x80, $0x38;
	[tilespmem:$0xD900] =	vst v63  }
0x128: {  	_ =	swait.ge [sflag:s12], $0x80  }
0x129: {  	[sflag:s12] =	ssyncset.done $0x0  }
0x12a: {  	[sflag:s12] =	ssyncadd.s32 $0xFFFFFF80  }
.LBB2_8:
0x12b: {  	s19 =	simm.s32 $0x0  }
0x12c: {  	v7 =	vld [tilespmem:s19+$0xC600]  }
0x12d: {  	v5 =	vld [tilespmem:s19+$0x8500]  }
0x12e: {  	v12 =	vld [tilespmem:s19+$0x8400]  }
0x12f: {  	v13 =	vld [tilespmem:s19+$0x8480];
	_ =	sdelay $0x1  }
0x130: {  	v0 =	vbroadcast v7, $0xF  }
0x131: {  	v22 =	vbroadcast v5, $0xF;
	v16 =	vbroadcast v5, $0xE  }
0x132: {  	v2 =	vbroadcast v5, $0xD;
	v14 =	vbroadcast v12, $0xF  }
0x133: {  	v18 =	vbroadcast v5, $0xC;
	v23 =	vbroadcast v13, $0xF  }
0x134: {  	v24 =	vbroadcast v12, $0xE;
	v21 =	vbroadcast v5, $0xB  }
0x135: {  	v26 =	vbroadcast v12, $0xD;
	v20 =	vbroadcast v5, $0xA  }
0x136: {  	v27 =	vbroadcast v13, $0xD;
	v28 =	vbroadcast v12, $0xC  }
0x137: {  	v29 =	vbroadcast v13, $0xC;
	v6 =	vbroadcast v5, $0x9  }
0x138: {  	v30 =	vbroadcast v12, $0xB;
	v31 =	vbroadcast v13, $0xB  }
0x139: {  	v32 =	vbroadcast v12, $0xA;
	v33 =	vbroadcast v13, $0xA  }
0x13a: {  	s19 =	sshll.u32 s18, $0x5;
	v34 =	vbroadcast v12, $0x9;
	v35 =	vbroadcast v13, $0x9  }
0x13b: {  	s21 =	sadd.s32 s7, s19;
	v36 =	vbroadcast v12, $0x8;
	v37 =	vbroadcast v13, $0x8  }
0x13c: {  	s20 =	sshll.u32 s21, $0x2;
	v38 =	vbroadcast v12, $0x7;
	v39 =	vbroadcast v13, $0x7  }
0x13d: {  	s20 =	sand.u32 $0x3E00, s20;
	v40 =	vbroadcast v12, $0x6;
	v41 =	vbroadcast v13, $0x6  }
0x13e: {  	s22 =	sand.u32 $0x60, s19;
	s24 =	sadd.s32 $0x4400, s20;
	v42 =	vbroadcast v12, $0x5;
	v43 =	vbroadcast v13, $0x5  }
0x13f: {  	s20 =	sor.u32 $0x10, s22;
	s23 =	sor.u32 s22, s24;
	v44 =	vbroadcast v12, $0x4;
	v45 =	vbroadcast v13, $0x4  }
0x140: {  	s24 =	sor.u32 s20, s24;
	v46 =	vbroadcast v12, $0x3;
	v47 =	vbroadcast v13, $0x3;
	v25 =	vld [tilespmem:s23+$0x0]  }
0x141: {  	v48 =	vbroadcast v12, $0x2;
	v10 =	vld [tilespmem:s24+$0x0];
	[tilespmem:$0x1FEA0] =	vst v0;
	v0 =	vbroadcast v7, $0xE  }
0x142: {  	v49 =	vbroadcast v13, $0x2;
	v50 =	vbroadcast v12, $0x1  }
0x143: {  	v51 =	vbroadcast v13, $0x1;
	v9 =	vld [tilespmem:s23+$0x80];
	[tilespmem:$0x1FEB0] =	vst v0;
	v0 =	vbroadcast v7, $0xD  }
0x144: {  	v52 =	vbroadcast v12, $0x0;
	v53 =	vbroadcast v13, $0x0;
	v11 =	vld [tilespmem:s24+$0x80]  }
0x145: {  	v19 =	vbroadcast v5, $0x1;
	[tilespmem:$0x1FEC0] =	vst v0;
	v0 =	vbroadcast v7, $0xB  }
0x146: {  	v12 =	vmul.f32 v14, v25;
	v14 =	vmul.f32 v14, v10  }
0x147: {  	v54 =	vmul.f32 v24, v25;
	v24 =	vmul.f32 v24, v10  }
0x148: {  	v56 =	vmul.f32 v26, v25;
	v57 =	vmul.f32 v27, v9  }
0x149: {  	v26 =	vmul.f32 v26, v10;
	v27 =	vmul.f32 v27, v11  }
0x14a: {  	v62 =	vmul.f32 v30, v25;
	[tilespmem:$0x1FED0] =	vst v0;
	v0 =	vbroadcast v7, $0xC  }
0x14b: {  	v30 =	vmul.f32 v30, v10;
	v63 =	vmul.f32 v32, v25  }
0x14c: {  	v32 =	vmul.f32 v32, v10;
	[tilespmem:$0x1FEE0] =	vst v0;
	v0 =	vbroadcast v7, $0xA  }
0x14d: {  	v60 =	vmul.f32 v38, v25;
	v26 =	vadd.f32 v27, v26;
	v27 =	vmul.f32 v33, v9  }
0x14e: {  	v61 =	vmul.f32 v39, v9;
	[tilespmem:$0x1FEF0] =	vst v0;
	v0 =	vbroadcast v7, $0x9  }
0x14f: {  	v33 =	vmul.f32 v33, v11;
	v27 =	vadd.f32 v27, v63;
	v63 =	vmul.f32 v39, v11  }
0x150: {  	[tilespmem:$0x1FF00] =	vst v0;
	v0 =	vbroadcast v13, $0xE;
	v13 =	vmul.f32 v23, v9  }
0x151: {  	v39 =	vmul.f32 v43, v11;
	v23 =	vmul.f32 v23, v11  }
0x152: {  	v55 =	vmul.f32 v0, v9;
	v0 =	vmul.f32 v0, v11;
	v58 =	vadd.f32 v13, v12  }
0x153: {  	v12 =	vmul.f32 v28, v25;
	v23 =	vadd.f32 v23, v14;
	v13 =	vmul.f32 v29, v9  }
0x154: {  	v14 =	vmul.f32 v28, v10;
	v28 =	vmul.f32 v29, v11;
	v29 =	vadd.f32 v55, v54  }
0x155: {  	v24 =	vadd.f32 v0, v24;
	v0 =	vmul.f32 v31, v9;
	v31 =	vmul.f32 v31, v11  }
0x156: {  	v55 =	vadd.f32 v57, v56;
	v57 =	vadd.f32 v13, v12;
	v12 =	vmul.f32 v34, v25  }
0x157: {  	v59 =	vadd.f32 v28, v14;
	v13 =	vmul.f32 v35, v9;
	v14 =	vmul.f32 v34, v10  }
0x158: {  	v28 =	vmul.f32 v35, v11;
	v34 =	vmul.f32 v36, v25  }
0x159: {  	v35 =	vmul.f32 v36, v10;
	v36 =	vmul.f32 v37, v11  }
0x15a: {  	v54 =	vadd.f32 v33, v32;
	v33 =	vmul.f32 v45, v9;
	v4 =	vadd.f32 v0, v62  }
0x15b: {  	v31 =	vadd.f32 v31, v30;
	v30 =	vmul.f32 v37, v9;
	v62 =	vmul.f32 v38, v10  }
0x15c: {  	v56 =	vadd.f32 v13, v12;
	v12 =	vmul.f32 v40, v25;
	v13 =	vmul.f32 v41, v9  }
0x15d: {  	v15 =	vadd.f32 v28, v14;
	v14 =	vmul.f32 v40, v10;
	v28 =	vmul.f32 v41, v11  }
0x15e: {  	v41 =	vadd.f32 v36, v35;
	v35 =	vmul.f32 v43, v9;
	v36 =	vmul.f32 v42, v10  }
0x15f: {  	v37 =	vmul.f32 v44, v25;
	v38 =	vmul.f32 v44, v10  }
0x160: {  	v40 =	vmul.f32 v45, v11;
	v43 =	vmul.f32 v47, v11  }
0x161: {  	v44 =	vmul.f32 v48, v25;
	v48 =	vmul.f32 v48, v10  }
0x162: {  	v34 =	vadd.f32 v30, v34;
	v30 =	vmul.f32 v42, v25;
	v42 =	vadd.f32 v61, v60  }
0x163: {  	v45 =	vbroadcast v5, $0x7;
	v17 =	vadd.f32 v63, v62;
	v62 =	vadd.f32 v13, v12  }
0x164: {  	v13 =	vmul.f32 v46, v25;
	v63 =	vadd.f32 v28, v14;
	v28 =	vmul.f32 v47, v9  }
0x165: {  	v61 =	vadd.f32 v39, v36;
	v14 =	vadd.f32 v33, v37;
	v33 =	vmul.f32 v49, v9  }
0x166: {  	v37 =	vadd.f32 v40, v38;
	v49 =	vmul.f32 v49, v11;
	v36 =	vmul.f32 v51, v11  }
0x167: {  	v12 =	vld [tilespmem:s23+$0x100];
	v40 =	vmul.f32 v52, v25;
	v60 =	vadd.f32 v35, v30;
	v30 =	vmul.f32 v46, v10  }
0x168: {  	v39 =	vadd.f32 v28, v13;
	v13 =	vld [tilespmem:s24+$0x100];
	v28 =	vmul.f32 v50, v25;
	v50 =	vmul.f32 v50, v10  }
0x169: {  	v38 =	vadd.f32 v33, v44;
	v8 =	vadd.f32 v43, v30;
	v30 =	vmul.f32 v51, v9  }
0x16a: {  	v35 =	vmul.f32 v53, v11;
	v46 =	vbroadcast v5, $0x6;
	v47 =	vadd.f32 v36, v50  }
0x16b: {  	v50 =	vbroadcast v5, $0x8;
	v44 =	vadd.f32 v30, v28;
	v28 =	vmul.f32 v53, v9  }
0x16c: {  	v43 =	vadd.f32 v49, v48;
	v51 =	vbroadcast v5, $0x4;
	v30 =	vmul.f32 v52, v10  }
0x16d: {  	v36 =	vmul.f32 v16, v13;
	v48 =	vadd.f32 v28, v40;
	v28 =	vmul.f32 v22, v12  }
0x16e: {  	v22 =	vmul.f32 v22, v13;
	v49 =	vadd.f32 v35, v30;
	v30 =	vmul.f32 v16, v12  }
0x16f: {  	v0 =	vimm.f32 $1.000000020e+30;
	v40 =	vbroadcast v5, $0x5;
	v16 =	vmovc v6;
	v6 =	vmul.f32 v6, v12  }
0x170: {  	[tilespmem:$0x1FF10] =	vst v0;
	v0 =	vadd.f32 v36, v24;
	v36 =	vbroadcast v5, $0x3;
	v24 =	vbroadcast v5, $0x2  }
0x171: {  	v28 =	vadd.f32 v28, v58;
	v1 =	vadd.f32 v22, v23;
	v22 =	vmul.f32 v2, v12  }
0x172: {  	v52 =	vadd.f32 v30, v29;
	v23 =	vmul.f32 v2, v13;
	v30 =	vmul.f32 v18, v13  }
0x173: {  	v58 =	vmul.f32 v36, v12;
	v29 =	vadd.f32 v22, v55;
	v22 =	vmul.f32 v18, v12  }
0x174: {  	v2 =	vadd.f32 v23, v26;
	v23 =	vmul.f32 v21, v12;
	v26 =	vmul.f32 v20, v12  }
0x175: {  	v20 =	vmul.f32 v20, v13;
	v18 =	vbroadcast v5, $0x0  }
0x176: {  	v3 =	vadd.f32 v30, v59;
	v5 =	vmul.f32 v50, v12;
	v55 =	vmul.f32 v40, v13  }
0x177: {  	v59 =	vimm.f32 $1.000000020e+30;
	v53 =	vadd.f32 v22, v57;
	v22 =	vmul.f32 v21, v13  }
0x178: {  	v30 =	vadd.f32 v23, v4;
	v33 =	vadd.f32 v26, v27;
	v26 =	vmul.f32 v16, v13  }
0x179: {  	v4 =	vadd.f32 v20, v54;
	v27 =	vmul.f32 v45, v12;
	v45 =	vmul.f32 v45, v13  }
0x17a: {  	v34 =	vadd.f32 v5, v34;
	v5 =	vmul.f32 v46, v12;
	v54 =	vmul.f32 v40, v12  }
0x17b: {  	v22 =	vadd.f32 v22, v31;
	v31 =	vadd.f32 v6, v56;
	v6 =	vmul.f32 v50, v13  }
0x17c: {  	v57 =	vmul.f32 v51, v13;
	v26 =	vadd.f32 v26, v15;
	v15 =	vmul.f32 v46, v13  }
0x17d: {  	v56 =	vmul.f32 v51, v12;
	v46 =	vmul.f32 v24, v12;
	v16 =	vadd.f32 v6, v41  }
0x17e: {  	v50 =	vmul.f32 v24, v13;
	v41 =	vadd.f32 v27, v42;
	v27 =	vadd.f32 v45, v17  }
0x17f: {  	s23 =	simm.s32 $0x40;
	v45 =	vmul.f32 v36, v13;
	v42 =	vadd.f32 v5, v62;
	v24 =	vadd.f32 v15, v63  }
.LBB2_9:
0x180: {  	v32 =	vadd.f32 v54, v60;
	v36 =	vadd.f32 v56, v14  }
0x181: {  	v37 =	vadd.f32 v57, v37;
	v5 =	vld [tilespmem:$0x1FEF0];
	v35 =	vadd.f32 v55, v61  }
0x182: {  	v6 =	vld [tilespmem:$0x1FF00];
	v40 =	vadd.f32 v45, v8;
	v38 =	vadd.f32 v46, v38;
	v45 =	vbroadcast v7, $0x8  }
0x183: {  	v43 =	vadd.f32 v50, v43;
	v50 =	vbroadcast v7, $0x5;
	v61 =	vbroadcast v7, $0x2  }
0x184: {  	v60 =	vbroadcast v7, $0x3;
	v39 =	vadd.f32 v58, v39;
	v34 =	vadd.f32 v34, v45  }
0x185: {  	v32 =	vadd.f32 v32, v50;
	v38 =	vadd.f32 v38, v61  }
0x186: {  	v39 =	vadd.f32 v39, v60;
	v51 =	vmul.f32 v19, v12;
	v20 =	vmul.f32 v19, v13  }
0x187: {  	v17 =	vld [tilespmem:$0x1FEB0];
	v62 =	vmul.f32 v18, v12;
	v33 =	vadd.f32 v33, v5;
	v31 =	vadd.f32 v31, v6  }
0x188: {  	v21 =	vld [tilespmem:$0x1FEE0];
	v19 =	vmul.f32 v18, v13;
	v6 =	vadd.f32 v26, v6;
	v5 =	vadd.f32 v4, v5  }
0x189: {  	v14 =	vbroadcast v7, $0x1;
	v44 =	vadd.f32 v51, v44;
	v20 =	vadd.f32 v20, v47  }
0x18a: {  	v63 =	vadd.f32 v62, v48;
	v19 =	vadd.f32 v19, v49;
	v62 =	vbroadcast v7, $0x0  }
0x18b: {  	v48 =	vbroadcast v7, $0x6;
	v44 =	vadd.f32 v44, v14;
	v20 =	vadd.f32 v20, v14;
	v14 =	vld [tilespmem:$0x1FF10]  }
0x18c: {  	v47 =	vbroadcast v7, $0x7;
	v49 =	vadd.f32 v52, v17;
	v19 =	vadd.f32 v19, v62  }
0x18d: {  	v51 =	vadd.f32 v53, v21;
	v52 =	vbroadcast v7, $0x4;
	v42 =	vadd.f32 v42, v48  }
0x18e: {  	v46 =	vadd.f32 v63, v62;
	v15 =	vmin.f32 v59, v19;
	v19 =	vadd.f32 v43, v61  }
0x18f: {  	v36 =	vadd.f32 v36, v52;
	v15 =	vmin.f32 v15, v20;
	v20 =	vadd.f32 v40, v60  }
0x190: {  	v15 =	vmin.f32 v15, v19;
	v19 =	vadd.f32 v37, v52;
	v14 =	vmin.f32 v14, v46  }
0x191: {  	v23 =	vld [tilespmem:$0x1FED0];
	v15 =	vmin.f32 v15, v20;
	v20 =	vadd.f32 v35, v50;
	v14 =	vmin.f32 v14, v44  }
0x192: {  	s24 =	sshra.s32 s23, $0x2;
	v15 =	vmin.f32 v15, v19;
	v19 =	vadd.f32 v24, v48;
	v14 =	vmin.f32 v14, v38  }
0x193: {  	v53 =	vld [tilespmem:s24+$0xC600];
	v15 =	vmin.f32 v15, v20;
	v20 =	vadd.f32 v27, v47;
	v14 =	vmin.f32 v14, v39  }
0x194: {  	v15 =	vmin.f32 v15, v19;
	v19 =	vadd.f32 v16, v45;
	v14 =	vmin.f32 v14, v36  }
0x195: {  	v41 =	vadd.f32 v41, v47;
	v15 =	vmin.f32 v15, v20;
	v14 =	vmin.f32 v14, v32  }
0x196: {  	v18 =	vld [tilespmem:$0x1FEC0];
	v4 =	vadd.f32 v22, v23;
	v15 =	vmin.f32 v15, v19;
	v14 =	vmin.f32 v14, v42  }
0x197: {  	v3 =	vadd.f32 v3, v21;
	v6 =	vmin.f32 v15, v6;
	v14 =	vmin.f32 v14, v41  }
0x198: {  	v8 =	vld [tilespmem:$0x1FEA0];
	v63 =	vbroadcast v53, $0xF;
	v5 =	vmin.f32 v6, v5;
	v14 =	vmin.f32 v14, v34  }
0x199: {  	v30 =	vadd.f32 v30, v23;
	v7 =	vmovc v53;
	v4 =	vmin.f32 v5, v4;
	v14 =	vmin.f32 v14, v31  }
0x19a: {  	v3 =	vmin.f32 v4, v3;
	v4 =	vadd.f32 v0, v17;
	v0 =	vmovc v63;
	v14 =	vmin.f32 v14, v33  }
0x19b: {  	v22 =	vld [tilespmem:s24+$0x8400];
	v29 =	vadd.f32 v29, v18;
	[tilespmem:$0x1FEA0] =	vst v0;
	v0 =	vbroadcast v7, $0xE;
	v6 =	vmin.f32 v14, v30  }
0x19c: {  	v26 =	vld [tilespmem:s24+$0x8480];
	v2 =	vadd.f32 v2, v18;
	v5 =	vmin.f32 v6, v51  }
0x19d: {  	v28 =	vadd.f32 v28, v8;
	[tilespmem:$0x1FEB0] =	vst v0;
	v0 =	vbroadcast v7, $0xD;
	v5 =	vmin.f32 v5, v29  }
0x19e: {  	v2 =	vmin.f32 v3, v2;
	v3 =	vadd.f32 v1, v8;
	v5 =	vmin.f32 v5, v49  }
0x19f: {  	v4 =	vmin.f32 v2, v4;
	[tilespmem:$0x1FEC0] =	vst v0;
	v0 =	vmin.f32 v5, v28  }
0x1a0: {  	v54 =	vbroadcast v22, $0x9;
	[tilespmem:$0x1FF10] =	vst v0;
	v0 =	vmin.f32 v4, v3  }
0x1a1: {  	v55 =	vbroadcast v26, $0x9;
	[tilespmem:$0x1FE90] =	vst v0;
	v0 =	vbroadcast v7, $0xB  }
0x1a2: {  	v56 =	vbroadcast v22, $0x8;
	v57 =	vbroadcast v26, $0x8  }
0x1a3: {  	v58 =	vbroadcast v22, $0x7;
	[tilespmem:$0x1FED0] =	vst v0;
	v0 =	vbroadcast v7, $0xC  }
0x1a4: {  	v18 =	vld [tilespmem:s24+$0x8500];
	v59 =	vbroadcast v26, $0x7;
	v61 =	vbroadcast v26, $0x6  }
0x1a5: {  	v62 =	vbroadcast v22, $0x5;
	[tilespmem:$0x1FEE0] =	vst v0;
	v0 =	vbroadcast v7, $0xA  }
0x1a6: {  	v21 =	vbroadcast v26, $0x4;
	v23 =	vbroadcast v22, $0x3  }
0x1a7: {  	v40 =	vbroadcast v26, $0xE;
	[tilespmem:$0x1FEF0] =	vst v0;
	v0 =	vbroadcast v7, $0x9  }
0x1a8: {  	v53 =	vbroadcast v26, $0xA;
	v60 =	vbroadcast v22, $0x6  }
0x1a9: {  	v37 =	vbroadcast v22, $0xE;
	[tilespmem:$0x1FF00] =	vst v0;
	v0 =	vbroadcast v18, $0x7  }
0x1aa: {  	v52 =	vbroadcast v22, $0xA;
	v46 =	vbroadcast v26, $0xC  }
0x1ab: {  	v50 =	vbroadcast v26, $0xB;
	[tilespmem:$0x1FD50] =	vst v0;
	v0 =	vbroadcast v18, $0x6  }
0x1ac: {  	v35 =	vbroadcast v22, $0x2;
	v43 =	vbroadcast v18, $0xA  }
0x1ad: {  	v44 =	vbroadcast v26, $0xD;
	[tilespmem:$0x1FD60] =	vst v0;
	v0 =	vbroadcast v18, $0x5  }
0x1ae: {  	v48 =	vbroadcast v22, $0xB;
	v27 =	vbroadcast v18, $0xF  }
0x1af: {  	v47 =	vbroadcast v18, $0x9;
	[tilespmem:$0x1FDB0] =	vst v0;
	v0 =	vbroadcast v18, $0x4  }
0x1b0: {  	v38 =	vbroadcast v26, $0x2;
	v45 =	vbroadcast v22, $0xC  }
0x1b1: {  	v39 =	vbroadcast v22, $0x1;
	[tilespmem:$0x1FE00] =	vst v0;
	v0 =	vbroadcast v18, $0x3  }
0x1b2: {  	v16 =	vmul.f32 v57, v9;
	v57 =	vmul.f32 v57, v11  }
0x1b3: {  	v36 =	vbroadcast v26, $0xF;
	[tilespmem:$0x1FE50] =	vst v0;
	v0 =	vbroadcast v18, $0x2  }
0x1b4: {  	v20 =	vbroadcast v22, $0x4;
	v32 =	vmul.f32 v45, v10  }
0x1b5: {  	v19 =	vmul.f32 v54, v25;
	[tilespmem:$0x1FE80] =	vst v0;
	v0 =	vbroadcast v18, $0x1  }
0x1b6: {  	v54 =	vmul.f32 v54, v10;
	v42 =	vbroadcast v22, $0xD  }
0x1b7: {  	v24 =	vmul.f32 v36, v9;
	[tilespmem:$0x1FE70] =	vst v0;
	v0 =	vbroadcast v18, $0x0  }
0x1b8: {  	v15 =	vmul.f32 v58, v25;
	v58 =	vmul.f32 v58, v10  }
0x1b9: {  	v41 =	vbroadcast v18, $0xB;
	[tilespmem:$0x1FE60] =	vst v0;
	v0 =	vbroadcast v26, $0x1  }
0x1ba: {  	v34 =	vbroadcast v18, $0xC;
	v31 =	vbroadcast v18, $0xD  }
0x1bb: {  	v63 =	vbroadcast v26, $0x5;
	[tilespmem:$0x1FD20] =	vst v0;
	v0 =	vbroadcast v22, $0x0  }
0x1bc: {  	v17 =	vmul.f32 v56, v25;
	v56 =	vmul.f32 v56, v10  }
0x1bd: {  	v33 =	vbroadcast v22, $0xF;
	[tilespmem:$0x1FD30] =	vst v0;
	v0 =	vbroadcast v26, $0x0  }
0x1be: {  	v1 =	vmul.f32 v21, v9;
	v21 =	vmul.f32 v21, v11  }
0x1bf: {  	v30 =	vbroadcast v18, $0xE;
	[tilespmem:$0x1FD40] =	vst v0;
	v0 =	vmul.f32 v27, v12  }
0x1c0: {  	v14 =	vmul.f32 v59, v9;
	v59 =	vmul.f32 v59, v11  }
0x1c1: {  	v2 =	vmul.f32 v20, v25;
	[tilespmem:$0x1FD70] =	vst v0;
	v0 =	vmul.f32 v27, v13  }
0x1c2: {  	v20 =	vmul.f32 v20, v10;
	v51 =	vmul.f32 v37, v10  }
0x1c3: {  	v6 =	vmul.f32 v60, v25;
	[tilespmem:$0x1FD80] =	vst v0;
	v0 =	vmul.f32 v30, v12  }
0x1c4: {  	v60 =	vmul.f32 v60, v10;
	v29 =	vmul.f32 v50, v11  }
0x1c5: {  	v49 =	vbroadcast v18, $0x8;
	[tilespmem:$0x1FD90] =	vst v0;
	v0 =	vmul.f32 v30, v13  }
0x1c6: {  	v28 =	vbroadcast v26, $0x3;
	v18 =	vmul.f32 v55, v9  }
0x1c7: {  	v55 =	vmul.f32 v55, v11;
	[tilespmem:$0x1FDA0] =	vst v0;
	v0 =	vmul.f32 v31, v12  }
0x1c8: {  	v16 =	vadd.f32 v16, v17;
	v5 =	vmul.f32 v61, v9;
	v61 =	vmul.f32 v61, v11  }
0x1c9: {  	v18 =	vadd.f32 v18, v19;
	v19 =	vadd.f32 v55, v54;
	v55 =	vld [tilespmem:$0x1FD20];
	[tilespmem:$0x1FDC0] =	vst v0;
	v0 =	vmul.f32 v31, v13  }
0x1ca: {  	v17 =	vadd.f32 v57, v56;
	v4 =	vmul.f32 v62, v25;
	v3 =	vmul.f32 v63, v9;
	v57 =	vld [tilespmem:$0x1FD30]  }
0x1cb: {  	v8 =	vmul.f32 v28, v9;
	v5 =	vadd.f32 v5, v6;
	[tilespmem:$0x1FDD0] =	vst v0;
	v0 =	vmul.f32 v36, v11  }
0x1cc: {  	v6 =	vadd.f32 v61, v60;
	v22 =	vmul.f32 v33, v25;
	v26 =	vmul.f32 v33, v10  }
0x1cd: {  	v60 =	vadd.f32 v3, v4;
	v33 =	vmul.f32 v46, v9;
	v4 =	vld [tilespmem:$0x1FD40];
	[tilespmem:$0x1FCF0] =	vst v0;
	v0 =	vmul.f32 v34, v12  }
0x1ce: {  	v15 =	vadd.f32 v14, v15;
	v27 =	vmul.f32 v53, v9;
	v56 =	vmul.f32 v55, v11  }
0x1cf: {  	v59 =	vadd.f32 v59, v58;
	v58 =	vmul.f32 v57, v25;
	[tilespmem:$0x1FDE0] =	vst v0;
	v0 =	vmul.f32 v34, v13  }
0x1d0: {  	v14 =	vadd.f32 v1, v2;
	v1 =	vmul.f32 v57, v10;
	v30 =	vmul.f32 v50, v9  }
0x1d1: {  	v50 =	vmul.f32 v49, v12;
	[tilespmem:$0x1FDF0] =	vst v0;
	v0 =	vmul.f32 v37, v25  }
0x1d2: {  	v3 =	vmul.f32 v4, v9;
	v31 =	vmul.f32 v46, v11  }
0x1d3: {  	v2 =	vld [tilespmem:$0x1FD50];
	v36 =	vmul.f32 v44, v9;
	[tilespmem:$0x1FD00] =	vst v0;
	v0 =	vmul.f32 v40, v9  }
0x1d4: {  	v44 =	vmul.f32 v44, v11;
	v34 =	vmul.f32 v42, v10  }
0x1d5: {  	v46 =	vmul.f32 v47, v13;
	[tilespmem:$0x1FD10] =	vst v0;
	v0 =	vmul.f32 v41, v12  }
0x1d6: {  	v37 =	vmul.f32 v42, v25;
	v34 =	vadd.f32 v44, v34;
	v44 =	vmul.f32 v38, v9  }
0x1d7: {  	v22 =	vadd.f32 v24, v22;
	v40 =	vmul.f32 v40, v11;
	[tilespmem:$0x1FE10] =	vst v0;
	v0 =	vmul.f32 v41, v13  }
0x1d8: {  	v24 =	vld [tilespmem:$0x1FCF0];
	v36 =	vadd.f32 v36, v37;
	v37 =	vadd.f32 v21, v20;
	v20 =	vmul.f32 v2, v12  }
0x1d9: {  	v21 =	vmul.f32 v2, v13;
	[tilespmem:$0x1FE20] =	vst v0;
	v0 =	vmul.f32 v43, v12  }
0x1da: {  	v51 =	vadd.f32 v40, v51;
	v40 =	vmul.f32 v35, v25;
	v41 =	vmul.f32 v49, v13  }
0x1db: {  	v49 =	vmul.f32 v52, v25;
	[tilespmem:$0x1FE30] =	vst v0;
	v0 =	vmul.f32 v43, v13  }
0x1dc: {  	v31 =	vadd.f32 v31, v32;
	v43 =	vmul.f32 v45, v25;
	v45 =	vmul.f32 v47, v12  }
0x1dd: {  	v24 =	vadd.f32 v24, v26;
	v47 =	vmul.f32 v48, v25;
	v48 =	vmul.f32 v48, v10  }
0x1de: {  	v27 =	vadd.f32 v27, v49;
	v49 =	vmul.f32 v39, v10;
	[tilespmem:$0x1FE40] =	vst v0;
	v0 =	vmul.f32 v23, v25  }
0x1df: {  	v2 =	vld [tilespmem:$0x1FDC0];
	v33 =	vadd.f32 v33, v43;
	v32 =	vadd.f32 v29, v48;
	v29 =	vmul.f32 v38, v11  }
0x1e0: {  	v30 =	vadd.f32 v30, v47;
	v47 =	vmul.f32 v39, v25;
	v48 =	vmul.f32 v55, v9  }
0x1e1: {  	v26 =	vld [tilespmem:$0x1FD00];
	v38 =	vadd.f32 v44, v40;
	v39 =	vadd.f32 v8, v0;
	v0 =	vmul.f32 v4, v11  }
0x1e2: {  	v43 =	vmul.f32 v35, v10;
	v44 =	vadd.f32 v48, v47;
	v48 =	vadd.f32 v3, v58;
	v3 =	vld [tilespmem:$0x1FDB0]  }
0x1e3: {  	v47 =	vadd.f32 v56, v49;
	v49 =	vadd.f32 v0, v1;
	v1 =	vld [tilespmem:$0x1FD70]  }
0x1e4: {  	v43 =	vadd.f32 v29, v43;
	v29 =	vadd.f32 v2, v36;
	v2 =	vld [tilespmem:$0x1FDD0]  }
0x1e5: {  	v4 =	vld [tilespmem:$0x1FE00]  }
0x1e6: {  	v28 =	vmul.f32 v28, v11;
	v42 =	vld [tilespmem:$0x1FD10];
	v23 =	vmul.f32 v23, v10  }
0x1e7: {  	v0 =	vld [tilespmem:$0x1FD60]  }
0x1e8: {  	v8 =	vadd.f32 v28, v23;
	v28 =	vadd.f32 v1, v22;
	v1 =	vld [tilespmem:$0x1FD80]  }
0x1e9: {  	v54 =	vmul.f32 v3, v12;
	v55 =	vmul.f32 v3, v13;
	v3 =	vld [tilespmem:$0x1FDE0]  }
0x1ea: {  	v2 =	vadd.f32 v2, v34;
	v56 =	vmul.f32 v4, v12;
	v57 =	vmul.f32 v4, v13;
	v4 =	vld [tilespmem:$0x1FE30]  }
0x1eb: {  	v34 =	vadd.f32 v50, v16;
	v16 =	vadd.f32 v41, v17;
	v17 =	vld [tilespmem:$0x1FE80]  }
0x1ec: {  	v53 =	vmul.f32 v53, v11;
	v52 =	vmul.f32 v52, v10;
	v22 =	vld [tilespmem:$0x1FE10]  }
0x1ed: {  	v23 =	vmul.f32 v0, v12;
	v1 =	vadd.f32 v1, v24;
	v24 =	vmul.f32 v0, v13;
	v0 =	vld [tilespmem:$0x1FD90]  }
0x1ee: {  	v35 =	vadd.f32 v53, v52;
	v53 =	vadd.f32 v3, v33;
	v3 =	vld [tilespmem:$0x1FDF0]  }
0x1ef: {  	v33 =	vadd.f32 v4, v27;
	v4 =	vld [tilespmem:$0x1FE40]  }
0x1f0: {  	v62 =	vmul.f32 v62, v10;
	v63 =	vmul.f32 v63, v11;
	v26 =	vadd.f32 v42, v26;
	v27 =	vld [tilespmem:$0x1FE50]  }
0x1f1: {  	v30 =	vadd.f32 v22, v30;
	v22 =	vld [tilespmem:$0x1FE20]  }
0x1f2: {  	p0 =	sne.s32 s23, $0x1C0;
	v61 =	vadd.f32 v63, v62;
	v52 =	vadd.f32 v0, v26;
	v0 =	vld [tilespmem:$0x1FDA0]  }
.Ltmp3:
0x1f3: {  	v41 =	vadd.f32 v20, v15;
	v42 =	vadd.f32 v23, v5;
	(pc) =	sbr.rel @p0 .LBB2_9-.Ltmp3, $4  }
0x1f4: {  	v50 =	vmul.f32 v17, v13;
	v24 =	vadd.f32 v24, v6;
	v3 =	vadd.f32 v3, v31  }
0x1f5: {  	v4 =	vadd.f32 v4, v35;
	v58 =	vmul.f32 v27, v12;
	v31 =	vadd.f32 v45, v18;
	v18 =	vld [tilespmem:$0x1FE60]  }
0x1f6: {  	v45 =	vmul.f32 v27, v13;
	v27 =	vadd.f32 v21, v59;
	v59 =	vld [tilespmem:$0x1FE90];
	v22 =	vadd.f32 v22, v32  }
0x1f7: {  	s23 =	sadd.s32 $0x40, s23;
	v26 =	vadd.f32 v46, v19;
	v19 =	vld [tilespmem:$0x1FE70];
	v46 =	vmul.f32 v17, v12;
	v0 =	vadd.f32 v0, v51  }
0x1f8: {  	v6 =	vadd.f32 v54, v60  }
0x1f9: {  	v9 =	vadd.f32 v55, v61;
	v11 =	vadd.f32 v56, v14  }
0x1fa: {  	v14 =	vadd.f32 v57, v37;
	v15 =	vadd.f32 v58, v39;
	v20 =	vbroadcast v7, $0x7  }
0x1fb: {  	v8 =	vadd.f32 v45, v8;
	v21 =	vbroadcast v7, $0x0;
	v25 =	vbroadcast v7, $0x1  }
0x1fc: {  	v57 =	vadd.f32 v50, v43;
	v36 =	vbroadcast v7, $0x3;
	v55 =	vmul.f32 v18, v12  }
0x1fd: {  	v58 =	vbroadcast v7, $0x4;
	v40 =	vld [tilespmem:$0x1FF10];
	v17 =	vadd.f32 v46, v38;
	v5 =	vmul.f32 v19, v12  }
0x1fe: {  	v60 =	vbroadcast v7, $0x5;
	v15 =	vadd.f32 v15, v36;
	v12 =	vadd.f32 v55, v48  }
0x1ff: {  	v35 =	vbroadcast v7, $0x2;
	v11 =	vadd.f32 v11, v58;
	v5 =	vadd.f32 v5, v44  }
0x200: {  	v23 =	vbroadcast v7, $0x6;
	v39 =	vld [tilespmem:$0x1FEB0];
	v6 =	vadd.f32 v6, v60;
	v12 =	vadd.f32 v12, v21  }
0x201: {  	v43 =	vld [tilespmem:$0x1FEE0];
	v56 =	vmul.f32 v18, v13;
	v18 =	vadd.f32 v57, v35;
	v5 =	vadd.f32 v5, v25  }
0x202: {  	v8 =	vadd.f32 v8, v36;
	v17 =	vadd.f32 v17, v35;
	v12 =	vmin.f32 v40, v12  }
0x203: {  	v57 =	vadd.f32 v14, v58;
	v10 =	vmul.f32 v19, v13;
	v5 =	vmin.f32 v12, v5  }
0x204: {  	v54 =	vld [tilespmem:$0x1FF00];
	v19 =	vbroadcast v7, $0x8;
	v13 =	vadd.f32 v56, v49;
	v5 =	vmin.f32 v5, v17  }
0x205: {  	v63 =	vld [tilespmem:$0x1FEF0];
	v49 =	vadd.f32 v42, v23;
	v7 =	vadd.f32 v9, v60;
	v5 =	vmin.f32 v5, v15  }
0x206: {  	v50 =	vld [tilespmem:$0x1FED0];
	v32 =	vadd.f32 v52, v39;
	v61 =	vadd.f32 v53, v43;
	v5 =	vmin.f32 v5, v11  }
0x207: {  	v52 =	vadd.f32 v41, v20;
	v10 =	vadd.f32 v10, v47;
	v5 =	vmin.f32 v5, v6  }
0x208: {  	v53 =	vadd.f32 v34, v19;
	v13 =	vadd.f32 v13, v21;
	v40 =	vld [tilespmem:$0x1FEC0];
	v5 =	vmin.f32 v5, v49  }
0x209: {  	v55 =	vadd.f32 v31, v54;
	v10 =	vadd.f32 v10, v25;
	v5 =	vmin.f32 v5, v52  }
0x20a: {  	s21 =	sand.u32 $0xF80, s21;
	v38 =	vld [tilespmem:$0x1FEA0];
	v48 =	vadd.f32 v33, v63;
	v13 =	vmin.f32 v59, v13;
	v5 =	vmin.f32 v5, v53  }
0x20b: {  	s21 =	sadd.s32 $0xC680, s21;
	v51 =	vadd.f32 v30, v50;
	v56 =	vmin.f32 v13, v10;
	v5 =	vmin.f32 v5, v55  }
0x20c: {  	s22 =	sor.u32 s22, s21;
	v60 =	vadd.f32 v27, v20;
	v6 =	vmin.f32 v56, v18;
	v5 =	vmin.f32 v5, v48  }
0x20d: {  	v58 =	vld [tilespmem:s22+$0x0];
	v62 =	vadd.f32 v29, v40;
	v6 =	vmin.f32 v6, v8;
	v5 =	vmin.f32 v5, v51  }
0x20e: {  	v59 =	vadd.f32 v24, v23;
	v6 =	vmin.f32 v6, v57;
	v5 =	vmin.f32 v5, v61  }
0x20f: {  	v28 =	vadd.f32 v28, v38;
	v6 =	vmin.f32 v6, v7;
	v5 =	vmin.f32 v5, v62  }
0x210: {  	v6 =	vmin.f32 v6, v59;
	v61 =	vadd.f32 v16, v19;
	v5 =	vmin.f32 v5, v32  }
0x211: {  	v6 =	vmin.f32 v6, v60;
	v62 =	vadd.f32 v26, v54;
	v5 =	vmin.f32 v5, v28  }
0x212: {  	v4 =	vadd.f32 v4, v63;
	v6 =	vmin.f32 v6, v61;
	v5 =	vadd.f32 v58, v5  }
0x213: {  	v63 =	vadd.f32 v22, v50;
	v6 =	vmin.f32 v6, v62  }
0x214: {  	s20 =	sor.u32 s20, s21;
	v3 =	vadd.f32 v3, v43;
	v4 =	vmin.f32 v6, v4;
	[tilespmem:s19+$0xD700] =	vst v5  }
0x215: {  	v2 =	vadd.f32 v2, v40;
	v4 =	vmin.f32 v4, v63;
	v5 =	vld [tilespmem:s20+$0x0]  }
0x216: {  	s18 =	sadd.s32 $0x1, s18;
	v0 =	vadd.f32 v0, v39;
	v3 =	vmin.f32 v4, v3  }
0x217: {  	p0 =	sne.s32 s18, $0x10;
	v1 =	vadd.f32 v1, v38;
	v2 =	vmin.f32 v3, v2  }
.Ltmp4:
0x218: {  	v0 =	vmin.f32 v2, v0;
	(pc) =	sbr.rel @p0 .LBB2_8-.Ltmp4, $3  }
0x219: {  	v0 =	vmin.f32 v0, v1  }
0x21a: {  	v0 =	vadd.f32 v5, v0;
	_ =	sdelay $0x1  }
0x21b: {  	[tilespmem:s19+$0xD710] =	vst v0  }
0x21c: {  	s17 =	sadd.s32 $0x1, s17  }
0x21d: {  	p0 =	sne.s32 s17, s9  }
.Ltmp5:
0x21e: {  	_ = 	snop;
	(pc) =	sbr.rel @p0 .LBB2_1-.Ltmp5, $4  }
0x21f: {  	[hbm4b:s8+s14] =	stream.strided.scatter [tilespmem:s16], [sflag:$0x1], $0x200, s15, s14, $0x38;
	[tilespmem:$0xD900] =	vst v63  }
0x220: {  	_ =	swait.ge [sflag:s12], $0x200  }
0x221: {  	[sflag:s12] =	ssyncset.done $0x0  }
0x222: {  	[sflag:s12] =	ssyncadd.s32 $0xFFFFFE00  }
0x223: {  	_ =	sfence.sel $0x180000  }
0x224: {  	[bflag:$0x0] =	sbarrier.arrive $0xFFFF  }
0x225: {  	p0 =	sne.s32 s1, $0x0;
	_ =	strace $0x90000047  }
0x226: {  	s0 =	sadd.s32 @!p0 $0x100000, s0;
	[bflag:$0x2] =	sbarrier.arrive $0xFFFF  }
0x227: {  	[sflag:s0] =	ssyncadd.tile.s32 @!p0 $0x1;
	_ =	shalt  }
.Lfunc_end2:
_tile_overlayer_lowered:
.L_overlay_start_2:
0x228: {  	(tag) =	ssettag $0x2  }
0x229: {  	s0 =	rddreg [dreg:$0x0];
	s2 =	stileid.u32  }
0x22a: {  	s1 =	rddreg [dreg:$0x1];
	p0 =	sne.s32 s2, $0x0  }
0x22b: {  	s3 =	rddreg [dreg:$0x2];
	[bflag:$0x3] =	sbarrier.arrive $0xFFFF;
	s2 =	simm.s32 @!p0 $0x1C01  }
0x22c: {  	[timem:s3], [sflag:s2] =	dma.local @!p0 [hbm:s0], s1  }
0x22d: {  	s0 =	simm.s32 @!p0 $0x1  }
0x22e: {  	_ =	swait.ge @!p0 [sflag:s0], s1  }
0x22f: {  	s1 =	ssub.s32 @!p0 $0x0, s1;
	[sflag:s0] =	ssyncset.done @!p0 $0x0  }
0x230: {  	[sflag:s0] =	ssyncadd.s32 @!p0 s1  }
0x231: {  	[bflag:$0x3] =	sbarrier.arrive $0xFFFF  }
0x232: {  	_ =	shalt  }

</sc_bundles>
